<compile_context>
chip_gen: v7x
topology: tpu7x:2x2x1
jax: 0.10.2.dev20260603
libtpu: 0.0.44.dev20260713+nightly
codegen_flags: <defaults>
</compile_context>

<pallas_src>
import jax
import jax.numpy as jnp
from jax import lax
from jax.experimental import pallas as pl
from jax.experimental.pallas import tpu as pltpu
from jax.experimental.pallas import tpu_sc as plsc

N = 10000
E = 320000
D = 128

NC = 2
NS = 16
NW = NC * NS
K = 128
CH = -(-E // (NW * K))
EP = NW * CH * K
NP = 10240
RPT = NP // NS
RB = 1024

_f32 = jnp.float32


def _sc_agg_phase(y_hbm, src_hbm, dst_hbm, z2d_hbm, out_hbm,
                  sidx, didx, rows, aggs, sem, c, s, wid):
    for b in range(RPT // K):
        sl = pl.ds(s * RPT + b * K, K)
        pltpu.sync_copy(z2d_hbm, aggs.at[sl])
    plsc.subcore_barrier()

    def chunk(j, carry):
        base = pl.multiple_of((wid * CH + j) * K, K)
        pltpu.sync_copy(src_hbm.at[pl.ds(base, K)], sidx)
        pltpu.sync_copy(dst_hbm.at[pl.ds(base, K)], didx)
        pltpu.async_copy(y_hbm.at[sidx], rows, sem).wait()
        pltpu.sync_copy(rows, aggs.at[didx], add=True)
        return carry

    lax.fori_loop(0, CH, chunk, 0)
    plsc.subcore_barrier()

    for b in range(RPT // K):
        sl = pl.ds(s * RPT + b * K, K)
        pltpu.sync_copy(aggs.at[sl], out_hbm.at[c, sl])


def _sc_deg_body(y_hbm, src_hbm, dst_hbm, z2d_hbm, ones_hbm,
                 agg_out, deg_out,
                 sidx, didx, rows, ones, aggs, sem):
    c = lax.axis_index("c")
    s = lax.axis_index("s")
    wid = s * NC + c

    pltpu.sync_copy(ones_hbm, ones)
    for b in range(RPT // K):
        sl = pl.ds(s * RPT + b * K, K)
        pltpu.sync_copy(z2d_hbm, aggs.at[sl])
    plsc.subcore_barrier()

    def dchunk(j, carry):
        base = pl.multiple_of((wid * CH + j) * K, K)
        pltpu.sync_copy(dst_hbm.at[pl.ds(base, K)], didx)
        pltpu.sync_copy(ones, aggs.at[didx], add=True)
        return carry

    lax.fori_loop(0, CH, dchunk, 0)
    plsc.subcore_barrier()

    for b in range(RPT // K):
        sl = pl.ds(s * RPT + b * K, K)
        pltpu.sync_copy(aggs.at[sl], deg_out.at[c, sl])
    plsc.subcore_barrier()

    _sc_agg_phase(y_hbm, src_hbm, dst_hbm, z2d_hbm, agg_out,
                  sidx, didx, rows, aggs, sem, c, s, wid)


def _sc_plain_body(y_hbm, src_hbm, dst_hbm, z2d_hbm, agg_out,
                   sidx, didx, rows, aggs, sem):
    c = lax.axis_index("c")
    s = lax.axis_index("s")
    wid = s * NC + c
    _sc_agg_phase(y_hbm, src_hbm, dst_hbm, z2d_hbm, agg_out,
                  sidx, didx, rows, aggs, sem, c, s, wid)


_sc_mesh = plsc.VectorSubcoreMesh(
    core_axis_name="c", subcore_axis_name="s", num_cores=NC, num_subcores=NS)

_sc_scatter_deg = pl.kernel(
    _sc_deg_body,
    out_type=(
        jax.ShapeDtypeStruct((NC, NP, D), _f32),
        jax.ShapeDtypeStruct((NC, NP, D), _f32),
    ),
    mesh=_sc_mesh,
    scratch_types=(
        pltpu.VMEM((K,), jnp.int32),
        pltpu.VMEM((K,), jnp.int32),
        pltpu.VMEM((K, D), _f32),
        pltpu.VMEM((K, D), _f32),
        pltpu.VMEM_SHARED((NP, D), _f32),
        pltpu.SemaphoreType.DMA,
    ),
)

_sc_scatter = pl.kernel(
    _sc_plain_body,
    out_type=jax.ShapeDtypeStruct((NC, NP, D), _f32),
    mesh=_sc_mesh,
    scratch_types=(
        pltpu.VMEM((K,), jnp.int32),
        pltpu.VMEM((K,), jnp.int32),
        pltpu.VMEM((K, D), _f32),
        pltpu.VMEM_SHARED((NP, D), _f32),
        pltpu.SemaphoreType.DMA,
    ),
)


def _tc_pre_body(x_ref, wl_ref, wr_ref, b_ref, y_ref, z_ref):
    xb = x_ref[...]
    y_ref[...] = jnp.dot(xb, wl_ref[...], preferred_element_type=_f32,
                         precision=lax.Precision.HIGHEST)
    z_ref[...] = jnp.dot(xb, wr_ref[...], preferred_element_type=_f32,
                         precision=lax.Precision.HIGHEST) + b_ref[...]


_tc_pre = pl.pallas_call(
    _tc_pre_body,
    grid=(NP // RB,),
    in_specs=[
        pl.BlockSpec((RB, D), lambda i: (i, 0)),
        pl.BlockSpec((D, D), lambda i: (0, 0)),
        pl.BlockSpec((D, D), lambda i: (0, 0)),
        pl.BlockSpec((1, D), lambda i: (0, 0)),
    ],
    out_specs=[
        pl.BlockSpec((RB, D), lambda i: (i, 0)),
        pl.BlockSpec((RB, D), lambda i: (i, 0)),
    ],
    out_shape=[
        jax.ShapeDtypeStruct((NP, D), _f32),
        jax.ShapeDtypeStruct((NP, D), _f32),
    ],
)


def _mean_relu(agg_ref, deg_ref, z_ref):
    agg = agg_ref[0] + agg_ref[1]
    deg = jnp.max(deg_ref[0] + deg_ref[1], axis=1, keepdims=True)
    h = agg / jnp.maximum(deg, 1.0) + z_ref[...]
    return jnp.maximum(h, 0.0)


def _tc_mid_body(agg_ref, deg_ref, z_ref, wl_ref, wr_ref, b_ref,
                 y_ref, z1_ref):
    h = _mean_relu(agg_ref, deg_ref, z_ref)
    y_ref[...] = jnp.dot(h, wl_ref[...], preferred_element_type=_f32,
                         precision=lax.Precision.HIGHEST)
    z1_ref[...] = jnp.dot(h, wr_ref[...], preferred_element_type=_f32,
                          precision=lax.Precision.HIGHEST) + b_ref[...]


_tc_mid = pl.pallas_call(
    _tc_mid_body,
    grid=(NP // RB,),
    in_specs=[
        pl.BlockSpec((NC, RB, D), lambda i: (0, i, 0)),
        pl.BlockSpec((NC, RB, D), lambda i: (0, i, 0)),
        pl.BlockSpec((RB, D), lambda i: (i, 0)),
        pl.BlockSpec((D, D), lambda i: (0, 0)),
        pl.BlockSpec((D, D), lambda i: (0, 0)),
        pl.BlockSpec((1, D), lambda i: (0, 0)),
    ],
    out_specs=[
        pl.BlockSpec((RB, D), lambda i: (i, 0)),
        pl.BlockSpec((RB, D), lambda i: (i, 0)),
    ],
    out_shape=[
        jax.ShapeDtypeStruct((NP, D), _f32),
        jax.ShapeDtypeStruct((NP, D), _f32),
    ],
)


def _tc_out_body(agg_ref, deg_ref, z_ref, wo_ref, b_ref, o_ref):
    h = _mean_relu(agg_ref, deg_ref, z_ref)
    o_ref[...] = jnp.dot(h, wo_ref[...], preferred_element_type=_f32,
                         precision=lax.Precision.HIGHEST) + b_ref[...]


_tc_out = pl.pallas_call(
    _tc_out_body,
    grid=(NP // RB,),
    in_specs=[
        pl.BlockSpec((NC, RB, D), lambda i: (0, i, 0)),
        pl.BlockSpec((NC, RB, D), lambda i: (0, i, 0)),
        pl.BlockSpec((RB, D), lambda i: (i, 0)),
        pl.BlockSpec((D, D), lambda i: (0, 0)),
        pl.BlockSpec((1, D), lambda i: (0, 0)),
    ],
    out_specs=pl.BlockSpec((RB, D), lambda i: (i, 0)),
    out_shape=jax.ShapeDtypeStruct((NP, D), _f32),
)


def kernel(x, edge_index, W_l0, b_l0, W_r0, W_l1, b_l1, W_r1, W_out, b_out):
    ei = edge_index.astype(jnp.int32)
    src = jnp.concatenate([ei[0], jnp.zeros((EP - E,), jnp.int32)])
    dst = jnp.concatenate([ei[1], jnp.full((EP - E,), N, jnp.int32)])
    xp = jnp.pad(x, ((0, NP - N), (0, 0)))
    z2d = jnp.zeros((K, D), _f32)
    ones2d = jnp.ones((K, D), _f32)

    y0, z0 = _tc_pre(xp, W_l0, W_r0, b_l0.reshape(1, D))
    agg0, deg = _sc_scatter_deg(y0, src, dst, z2d, ones2d)
    y1, z1 = _tc_mid(agg0, deg, z0, W_l1, W_r1, b_l1.reshape(1, D))
    agg1 = _sc_scatter(y1, src, dst, z2d)
    out = _tc_out(agg1, deg, z1, W_out, b_out.reshape(1, D))
    return out[:N]

# --- scband reference (transcript-rebuilt; emitter-appended) ---
"""Pipeline reference for scband-hetero-gnn-11974368821561 (READ-ONLY COPY).

The authoritative reference and input builder live on the scoring server;
editing this copy changes nothing except your own understanding.
"""

import jax, jax.numpy as jnp
import numpy as np

N_NODES = 10000
N_EDGES = 320000
D = 128
D_OUT = 128

def _sage_layer(x, src, dst, Wl, bl, Wr):
    msgs = jnp.take(x, src, axis=0)
    agg = jax.ops.segment_sum(msgs, dst, num_segments=N_NODES)
    deg = jax.ops.segment_sum(jnp.ones((src.shape[0], 1), x.dtype), dst, num_segments=N_NODES)
    agg = agg / jnp.maximum(deg, 1.0)
    return agg @ Wl + bl + x @ Wr

def setup_inputs(seed: int = 0) -> dict:
    key = jax.random.key(seed)
    ks = jax.random.split(key, 12)
    s = 1.0 / np.sqrt(D)
    x = jax.random.normal(ks[0], (N_NODES, D), dtype=jnp.float32)
    edge_index = jax.random.randint(ks[1], (2, N_EDGES), 0, N_NODES, dtype=jnp.int64)
    W_l0 = jax.random.normal(ks[2], (D, D), dtype=jnp.float32) * s
    b_l0 = jnp.zeros((D,), dtype=jnp.float32)
    W_r0 = jax.random.normal(ks[3], (D, D), dtype=jnp.float32) * s
    W_l1 = jax.random.normal(ks[4], (D, D), dtype=jnp.float32) * s
    b_l1 = jnp.zeros((D,), dtype=jnp.float32)
    W_r1 = jax.random.normal(ks[5], (D, D), dtype=jnp.float32) * s
    W_out = jax.random.normal(ks[6], (D, D_OUT), dtype=jnp.float32) * s
    b_out = jnp.zeros((D_OUT,), dtype=jnp.float32)
    return {"x": x, "edge_index": edge_index, "W_l0": W_l0, "b_l0": b_l0, "W_r0": W_r0, "W_l1": W_l1, "b_l1": b_l1, "W_r1": W_r1, "W_out": W_out, "b_out": b_out}

def reference(x, edge_index, W_l0, b_l0, W_r0, W_l1, b_l1, W_r1, W_out, b_out):
    src = edge_index[0]
    dst = edge_index[1]
    h = _sage_layer(x, src, dst, W_l0, b_l0, W_r0)
    h = jax.nn.relu(h)
    h = _sage_layer(h, src, dst, W_l1, b_l1, W_r1)
    h = jax.nn.relu(h)
    return h @ W_out + b_out

if __name__ == "__main__":
    import jax
    _d = setup_inputs()
    print(jax.jit(kernel)(*tuple(_d.values())))

</pallas_src>

<mosaic_0001>
#map = affine_map<(d0, d1) -> (0, 0)>
#map1 = affine_map<(d0, d1) -> (0)>
#map2 = affine_map<(d0, d1) -> (0, 0, 0)>
module attributes {stable_mosaic.version = 14 : i64} {
  func.func @_sc_deg_body(%arg0: i32, %arg1: i32, %arg2: memref<10240x128xf32, #tpu.memory_space<hbm>>, %arg3: memref<323584xi32, #tpu.memory_space<hbm>>, %arg4: memref<323584xi32, #tpu.memory_space<hbm>>, %arg5: memref<128x128xf32, #tpu.memory_space<hbm>>, %arg6: memref<128x128xf32, #tpu.memory_space<hbm>>, %arg7: memref<2x10240x128xf32, #tpu.memory_space<hbm>>, %arg8: memref<2x10240x128xf32, #tpu.memory_space<hbm>>, %arg9: memref<128xi32, #tpu.memory_space<vmem>>, %arg10: memref<128xi32, #tpu.memory_space<vmem>>, %arg11: memref<128x128xf32, #tpu.memory_space<vmem>>, %arg12: memref<128x128xf32, #tpu.memory_space<vmem>>, %arg13: memref<10240x128xf32, #tpu.memory_space<vmem_shared>>, %arg14: memref<!tpu.dma_semaphore, #tpu.memory_space<semaphore_mem>>) attributes {dimension_semantics = [#tpu.dimension_semantics<core_parallel>, #tpu.dimension_semantics<subcore_parallel>], iteration_bounds = array<i64: 2, 16>, scalar_prefetch = 0 : i64, scratch_operands = 6 : i64, tpu.core_type = #tpu.core_type<sc_vector_subcore>, window_params = [{transform_indices = #map}, {transform_indices = #map1}, {transform_indices = #map1}, {transform_indices = #map}, {transform_indices = #map}, {transform_indices = #map2}, {transform_indices = #map2}]} {
    %mul3A = arith.constant 2 : i32
    %mul3A_0 = arith.muli %arg1, %mul3A : i32
    %add3A = arith.addi %mul3A_0, %arg0 : i32
    "tpu.region"() ({
      %run_scoped3A = tpu.sem_alloc : memref<!tpu.dma_semaphore, #tpu.memory_space<semaphore_mem>>
      tpu.enqueue_dma source(%arg6 : memref<128x128xf32, #tpu.memory_space<hbm>>) target(%arg12 : memref<128x128xf32, #tpu.memory_space<vmem>>) target_semaphore(%run_scoped3A : memref<!tpu.dma_semaphore, #tpu.memory_space<semaphore_mem>>)
      tpu.wait_dma2 semaphore(%run_scoped3A : memref<!tpu.dma_semaphore, #tpu.memory_space<semaphore_mem>>) src(%arg6 : memref<128x128xf32, #tpu.memory_space<hbm>>) dst(%arg12 : memref<128x128xf32, #tpu.memory_space<vmem>>)
      tpu.yield
    }) : () -> ()
    %mul3A_1 = arith.constant 640 : i32
    %mul3A_2 = arith.muli %arg1, %mul3A_1 : i32
    %add3A_3 = arith.constant 0 : i32
    %add3A_4 = arith.addi %mul3A_2, %add3A_3 : i32
    "tpu.region"() ({
      %run_scoped3A = tpu.sem_alloc : memref<!tpu.dma_semaphore, #tpu.memory_space<semaphore_mem>>
      %dma_start3A = arith.constant 0 : i32
      %dma_start3A_96 = tpu.memref_slice %arg13[%add3A_4, %dma_start3A] : memref<10240x128xf32, #tpu.memory_space<vmem_shared>> -> memref<128x128xf32, #tpu.memory_space<vmem_shared>>
      tpu.enqueue_dma source(%arg5 : memref<128x128xf32, #tpu.memory_space<hbm>>) target(%dma_start3A_96 : memref<128x128xf32, #tpu.memory_space<vmem_shared>>) target_semaphore(%run_scoped3A : memref<!tpu.dma_semaphore, #tpu.memory_space<semaphore_mem>>)
      %dma_wait3A = arith.constant 0 : i32
      %dma_wait3A_97 = tpu.memref_slice %arg13[%add3A_4, %dma_wait3A] : memref<10240x128xf32, #tpu.memory_space<vmem_shared>> -> memref<128x128xf32, #tpu.memory_space<vmem_shared>>
      tpu.wait_dma2 semaphore(%run_scoped3A : memref<!tpu.dma_semaphore, #tpu.memory_space<semaphore_mem>>) src(%arg5 : memref<128x128xf32, #tpu.memory_space<hbm>>) dst(%dma_wait3A_97 : memref<128x128xf32, #tpu.memory_space<vmem_shared>>)
      tpu.yield
    }) : () -> ()
    %mul3A_5 = arith.constant 640 : i32
    %mul3A_6 = arith.muli %arg1, %mul3A_5 : i32
    %add3A_7 = arith.constant 128 : i32
    %add3A_8 = arith.addi %mul3A_6, %add3A_7 : i32
    "tpu.region"() ({
      %run_scoped3A = tpu.sem_alloc : memref<!tpu.dma_semaphore, #tpu.memory_space<semaphore_mem>>
      %dma_start3A = arith.constant 0 : i32
      %dma_start3A_96 = tpu.memref_slice %arg13[%add3A_8, %dma_start3A] : memref<10240x128xf32, #tpu.memory_space<vmem_shared>> -> memref<128x128xf32, #tpu.memory_space<vmem_shared>>
      tpu.enqueue_dma source(%arg5 : memref<128x128xf32, #tpu.memory_space<hbm>>) target(%dma_start3A_96 : memref<128x128xf32, #tpu.memory_space<vmem_shared>>) target_semaphore(%run_scoped3A : memref<!tpu.dma_semaphore, #tpu.memory_space<semaphore_mem>>)
      %dma_wait3A = arith.constant 0 : i32
      %dma_wait3A_97 = tpu.memref_slice %arg13[%add3A_8, %dma_wait3A] : memref<10240x128xf32, #tpu.memory_space<vmem_shared>> -> memref<128x128xf32, #tpu.memory_space<vmem_shared>>
      tpu.wait_dma2 semaphore(%run_scoped3A : memref<!tpu.dma_semaphore, #tpu.memory_space<semaphore_mem>>) src(%arg5 : memref<128x128xf32, #tpu.memory_space<hbm>>) dst(%dma_wait3A_97 : memref<128x128xf32, #tpu.memory_space<vmem_shared>>)
      tpu.yield
    }) : () -> ()
    %mul3A_9 = arith.constant 640 : i32
    %mul3A_10 = arith.muli %arg1, %mul3A_9 : i32
    %add3A_11 = arith.constant 256 : i32
    %add3A_12 = arith.addi %mul3A_10, %add3A_11 : i32
    "tpu.region"() ({
      %run_scoped3A = tpu.sem_alloc : memref<!tpu.dma_semaphore, #tpu.memory_space<semaphore_mem>>
      %dma_start3A = arith.constant 0 : i32
      %dma_start3A_96 = tpu.memref_slice %arg13[%add3A_12, %dma_start3A] : memref<10240x128xf32, #tpu.memory_space<vmem_shared>> -> memref<128x128xf32, #tpu.memory_space<vmem_shared>>
      tpu.enqueue_dma source(%arg5 : memref<128x128xf32, #tpu.memory_space<hbm>>) target(%dma_start3A_96 : memref<128x128xf32, #tpu.memory_space<vmem_shared>>) target_semaphore(%run_scoped3A : memref<!tpu.dma_semaphore, #tpu.memory_space<semaphore_mem>>)
      %dma_wait3A = arith.constant 0 : i32
      %dma_wait3A_97 = tpu.memref_slice %arg13[%add3A_12, %dma_wait3A] : memref<10240x128xf32, #tpu.memory_space<vmem_shared>> -> memref<128x128xf32, #tpu.memory_space<vmem_shared>>
      tpu.wait_dma2 semaphore(%run_scoped3A : memref<!tpu.dma_semaphore, #tpu.memory_space<semaphore_mem>>) src(%arg5 : memref<128x128xf32, #tpu.memory_space<hbm>>) dst(%dma_wait3A_97 : memref<128x128xf32, #tpu.memory_space<vmem_shared>>)
      tpu.yield
    }) : () -> ()
    %mul3A_13 = arith.constant 640 : i32
    %mul3A_14 = arith.muli %arg1, %mul3A_13 : i32
    %add3A_15 = arith.constant 384 : i32
    %add3A_16 = arith.addi %mul3A_14, %add3A_15 : i32
    "tpu.region"() ({
      %run_scoped3A = tpu.sem_alloc : memref<!tpu.dma_semaphore, #tpu.memory_space<semaphore_mem>>
      %dma_start3A = arith.constant 0 : i32
      %dma_start3A_96 = tpu.memref_slice %arg13[%add3A_16, %dma_start3A] : memref<10240x128xf32, #tpu.memory_space<vmem_shared>> -> memref<128x128xf32, #tpu.memory_space<vmem_shared>>
      tpu.enqueue_dma source(%arg5 : memref<128x128xf32, #tpu.memory_space<hbm>>) target(%dma_start3A_96 : memref<128x128xf32, #tpu.memory_space<vmem_shared>>) target_semaphore(%run_scoped3A : memref<!tpu.dma_semaphore, #tpu.memory_space<semaphore_mem>>)
      %dma_wait3A = arith.constant 0 : i32
      %dma_wait3A_97 = tpu.memref_slice %arg13[%add3A_16, %dma_wait3A] : memref<10240x128xf32, #tpu.memory_space<vmem_shared>> -> memref<128x128xf32, #tpu.memory_space<vmem_shared>>
      tpu.wait_dma2 semaphore(%run_scoped3A : memref<!tpu.dma_semaphore, #tpu.memory_space<semaphore_mem>>) src(%arg5 : memref<128x128xf32, #tpu.memory_space<hbm>>) dst(%dma_wait3A_97 : memref<128x128xf32, #tpu.memory_space<vmem_shared>>)
      tpu.yield
    }) : () -> ()
    %mul3A_17 = arith.constant 640 : i32
    %mul3A_18 = arith.muli %arg1, %mul3A_17 : i32
    %add3A_19 = arith.constant 512 : i32
    %add3A_20 = arith.addi %mul3A_18, %add3A_19 : i32
    "tpu.region"() ({
      %run_scoped3A = tpu.sem_alloc : memref<!tpu.dma_semaphore, #tpu.memory_space<semaphore_mem>>
      %dma_start3A = arith.constant 0 : i32
      %dma_start3A_96 = tpu.memref_slice %arg13[%add3A_20, %dma_start3A] : memref<10240x128xf32, #tpu.memory_space<vmem_shared>> -> memref<128x128xf32, #tpu.memory_space<vmem_shared>>
      tpu.enqueue_dma source(%arg5 : memref<128x128xf32, #tpu.memory_space<hbm>>) target(%dma_start3A_96 : memref<128x128xf32, #tpu.memory_space<vmem_shared>>) target_semaphore(%run_scoped3A : memref<!tpu.dma_semaphore, #tpu.memory_space<semaphore_mem>>)
      %dma_wait3A = arith.constant 0 : i32
      %dma_wait3A_97 = tpu.memref_slice %arg13[%add3A_20, %dma_wait3A] : memref<10240x128xf32, #tpu.memory_space<vmem_shared>> -> memref<128x128xf32, #tpu.memory_space<vmem_shared>>
      tpu.wait_dma2 semaphore(%run_scoped3A : memref<!tpu.dma_semaphore, #tpu.memory_space<semaphore_mem>>) src(%arg5 : memref<128x128xf32, #tpu.memory_space<hbm>>) dst(%dma_wait3A_97 : memref<128x128xf32, #tpu.memory_space<vmem_shared>>)
      tpu.yield
    }) : () -> ()
    %barrier3A = arith.constant 0 : index
    tpu.barrier barrier_id(%barrier3A)
    %scan3A = arith.constant 0 : i32
    %scan3A_21 = arith.constant 0 : i32
    %scan3A_22 = arith.constant 79 : i32
    %scan3A_23 = arith.addi %scan3A_21, %scan3A_22 : i32
    %scan3A_24 = arith.constant 1 : i32
    scf.for %scan3A_96 = %scan3A_21 to %scan3A_23 step %scan3A_24  : i32 {
      %mul3A_97 = arith.constant 79 : i32
      %mul3A_98 = arith.muli %add3A, %mul3A_97 : i32
      %add3A_99 = arith.addi %mul3A_98, %scan3A_96 : i32
      %mul3A_100 = arith.constant 128 : i32
      %mul3A_101 = arith.muli %add3A_99, %mul3A_100 : i32
      %multiple_of3A = tpu.assume_multiple %mul3A_101, 128 : i32
      "tpu.region"() ({
        %run_scoped3A = tpu.sem_alloc : memref<!tpu.dma_semaphore, #tpu.memory_space<semaphore_mem>>
        %dma_start3A = tpu.memref_slice %arg4[%multiple_of3A] : memref<323584xi32, #tpu.memory_space<hbm>> -> memref<128xi32, #tpu.memory_space<hbm>>
        %dma_start3A_102 = tpu.memref_slice %arg4[%multiple_of3A] : memref<323584xi32, #tpu.memory_space<hbm>> -> memref<128xi32, #tpu.memory_space<hbm>>
        tpu.enqueue_dma source(%dma_start3A_102 : memref<128xi32, #tpu.memory_space<hbm>>) target(%arg10 : memref<128xi32, #tpu.memory_space<vmem>>) target_semaphore(%run_scoped3A : memref<!tpu.dma_semaphore, #tpu.memory_space<semaphore_mem>>)
        %dma_wait3A = tpu.memref_slice %arg4[%multiple_of3A] : memref<323584xi32, #tpu.memory_space<hbm>> -> memref<128xi32, #tpu.memory_space<hbm>>
        %dma_wait3A_103 = tpu.memref_slice %arg4[%multiple_of3A] : memref<323584xi32, #tpu.memory_space<hbm>> -> memref<128xi32, #tpu.memory_space<hbm>>
        tpu.wait_dma2 semaphore(%run_scoped3A : memref<!tpu.dma_semaphore, #tpu.memory_space<semaphore_mem>>) src(%dma_wait3A_103 : memref<128xi32, #tpu.memory_space<hbm>>) dst(%arg10 : memref<128xi32, #tpu.memory_space<vmem>>)
        tpu.yield
      }) : () -> ()
      "tpu.region"() ({
        %run_scoped3A = tpu.sem_alloc : memref<!tpu.dma_semaphore, #tpu.memory_space<semaphore_mem>>
        %dma_start3A = arith.constant 0 : i32
        %dma_start3A_102 = arith.constant 0 : i32
        %dma_start3A_103 = tpu.memref_slice %arg13[%dma_start3A, %dma_start3A_102] : memref<10240x128xf32, #tpu.memory_space<vmem_shared>> -> memref<10240x128xf32, #tpu.memory_space<vmem_shared>>
        tpu.enqueue_indirect_dma source(%arg12 : memref<128x128xf32, #tpu.memory_space<vmem>>) target(%dma_start3A_103 : memref<10240x128xf32, #tpu.memory_space<vmem_shared>>) offsets(%arg10 : memref<128xi32, #tpu.memory_space<vmem>>) semaphore(%run_scoped3A : memref<!tpu.dma_semaphore, #tpu.memory_space<semaphore_mem>>) {add = true}
        %dma_wait3A = arith.constant 0 : i32
        %dma_wait3A_104 = arith.constant 0 : i32
        %dma_wait3A_105 = tpu.memref_slice %arg13[%dma_wait3A, %dma_wait3A_104] : memref<10240x128xf32, #tpu.memory_space<vmem_shared>> -> memref<10240x128xf32, #tpu.memory_space<vmem_shared>>
        tpu.wait_indirect_dma semaphore(%run_scoped3A : memref<!tpu.dma_semaphore, #tpu.memory_space<semaphore_mem>>) src(%arg12 : memref<128x128xf32, #tpu.memory_space<vmem>>) dst(%dma_wait3A_105 : memref<10240x128xf32, #tpu.memory_space<vmem_shared>>)
        tpu.yield
      }) : () -> ()
    }
    %scan3A_25 = arith.constant 79 : i32
    %barrier3A_26 = arith.constant 0 : index
    tpu.barrier barrier_id(%barrier3A_26)
    %mul3A_27 = arith.constant 640 : i32
    %mul3A_28 = arith.muli %arg1, %mul3A_27 : i32
    %add3A_29 = arith.constant 0 : i32
    %add3A_30 = arith.addi %mul3A_28, %add3A_29 : i32
    "tpu.region"() ({
      %run_scoped3A = tpu.sem_alloc : memref<!tpu.dma_semaphore, #tpu.memory_space<semaphore_mem>>
      %dma_start3A = arith.constant 0 : i32
      %dma_start3A_96 = tpu.memref_slice %arg8[%arg0, %add3A_30, %dma_start3A] : memref<2x10240x128xf32, #tpu.memory_space<hbm>> -> memref<1x128x128xf32, #tpu.memory_space<hbm>>
      %dma_start3A_97 = tpu.memref_squeeze %dma_start3A_96 : memref<1x128x128xf32, #tpu.memory_space<hbm>> -> memref<128x128xf32, #tpu.memory_space<hbm>>
      %dma_start3A_98 = arith.constant 0 : i32
      %dma_start3A_99 = tpu.memref_slice %arg13[%add3A_30, %dma_start3A_98] : memref<10240x128xf32, #tpu.memory_space<vmem_shared>> -> memref<128x128xf32, #tpu.memory_space<vmem_shared>>
      tpu.enqueue_dma source(%dma_start3A_99 : memref<128x128xf32, #tpu.memory_space<vmem_shared>>) target(%dma_start3A_97 : memref<128x128xf32, #tpu.memory_space<hbm>>) target_semaphore(%run_scoped3A : memref<!tpu.dma_semaphore, #tpu.memory_space<semaphore_mem>>)
      %dma_wait3A = arith.constant 0 : i32
      %dma_wait3A_100 = tpu.memref_slice %arg8[%arg0, %add3A_30, %dma_wait3A] : memref<2x10240x128xf32, #tpu.memory_space<hbm>> -> memref<1x128x128xf32, #tpu.memory_space<hbm>>
      %dma_wait3A_101 = tpu.memref_squeeze %dma_wait3A_100 : memref<1x128x128xf32, #tpu.memory_space<hbm>> -> memref<128x128xf32, #tpu.memory_space<hbm>>
      %dma_wait3A_102 = arith.constant 0 : i32
      %dma_wait3A_103 = tpu.memref_slice %arg13[%add3A_30, %dma_wait3A_102] : memref<10240x128xf32, #tpu.memory_space<vmem_shared>> -> memref<128x128xf32, #tpu.memory_space<vmem_shared>>
      tpu.wait_dma2 semaphore(%run_scoped3A : memref<!tpu.dma_semaphore, #tpu.memory_space<semaphore_mem>>) src(%dma_wait3A_103 : memref<128x128xf32, #tpu.memory_space<vmem_shared>>) dst(%dma_wait3A_101 : memref<128x128xf32, #tpu.memory_space<hbm>>)
      tpu.yield
    }) : () -> ()
    %mul3A_31 = arith.constant 640 : i32
    %mul3A_32 = arith.muli %arg1, %mul3A_31 : i32
    %add3A_33 = arith.constant 128 : i32
    %add3A_34 = arith.addi %mul3A_32, %add3A_33 : i32
    "tpu.region"() ({
      %run_scoped3A = tpu.sem_alloc : memref<!tpu.dma_semaphore, #tpu.memory_space<semaphore_mem>>
      %dma_start3A = arith.constant 0 : i32
      %dma_start3A_96 = tpu.memref_slice %arg8[%arg0, %add3A_34, %dma_start3A] : memref<2x10240x128xf32, #tpu.memory_space<hbm>> -> memref<1x128x128xf32, #tpu.memory_space<hbm>>
      %dma_start3A_97 = tpu.memref_squeeze %dma_start3A_96 : memref<1x128x128xf32, #tpu.memory_space<hbm>> -> memref<128x128xf32, #tpu.memory_space<hbm>>
      %dma_start3A_98 = arith.constant 0 : i32
      %dma_start3A_99 = tpu.memref_slice %arg13[%add3A_34, %dma_start3A_98] : memref<10240x128xf32, #tpu.memory_space<vmem_shared>> -> memref<128x128xf32, #tpu.memory_space<vmem_shared>>
      tpu.enqueue_dma source(%dma_start3A_99 : memref<128x128xf32, #tpu.memory_space<vmem_shared>>) target(%dma_start3A_97 : memref<128x128xf32, #tpu.memory_space<hbm>>) target_semaphore(%run_scoped3A : memref<!tpu.dma_semaphore, #tpu.memory_space<semaphore_mem>>)
      %dma_wait3A = arith.constant 0 : i32
      %dma_wait3A_100 = tpu.memref_slice %arg8[%arg0, %add3A_34, %dma_wait3A] : memref<2x10240x128xf32, #tpu.memory_space<hbm>> -> memref<1x128x128xf32, #tpu.memory_space<hbm>>
      %dma_wait3A_101 = tpu.memref_squeeze %dma_wait3A_100 : memref<1x128x128xf32, #tpu.memory_space<hbm>> -> memref<128x128xf32, #tpu.memory_space<hbm>>
      %dma_wait3A_102 = arith.constant 0 : i32
      %dma_wait3A_103 = tpu.memref_slice %arg13[%add3A_34, %dma_wait3A_102] : memref<10240x128xf32, #tpu.memory_space<vmem_shared>> -> memref<128x128xf32, #tpu.memory_space<vmem_shared>>
      tpu.wait_dma2 semaphore(%run_scoped3A : memref<!tpu.dma_semaphore, #tpu.memory_space<semaphore_mem>>) src(%dma_wait3A_103 : memref<128x128xf32, #tpu.memory_space<vmem_shared>>) dst(%dma_wait3A_101 : memref<128x128xf32, #tpu.memory_space<hbm>>)
      tpu.yield
    }) : () -> ()
    %mul3A_35 = arith.constant 640 : i32
    %mul3A_36 = arith.muli %arg1, %mul3A_35 : i32
    %add3A_37 = arith.constant 256 : i32
    %add3A_38 = arith.addi %mul3A_36, %add3A_37 : i32
    "tpu.region"() ({
      %run_scoped3A = tpu.sem_alloc : memref<!tpu.dma_semaphore, #tpu.memory_space<semaphore_mem>>
      %dma_start3A = arith.constant 0 : i32
      %dma_start3A_96 = tpu.memref_slice %arg8[%arg0, %add3A_38, %dma_start3A] : memref<2x10240x128xf32, #tpu.memory_space<hbm>> -> memref<1x128x128xf32, #tpu.memory_space<hbm>>
      %dma_start3A_97 = tpu.memref_squeeze %dma_start3A_96 : memref<1x128x128xf32, #tpu.memory_space<hbm>> -> memref<128x128xf32, #tpu.memory_space<hbm>>
      %dma_start3A_98 = arith.constant 0 : i32
      %dma_start3A_99 = tpu.memref_slice %arg13[%add3A_38, %dma_start3A_98] : memref<10240x128xf32, #tpu.memory_space<vmem_shared>> -> memref<128x128xf32, #tpu.memory_space<vmem_shared>>
      tpu.enqueue_dma source(%dma_start3A_99 : memref<128x128xf32, #tpu.memory_space<vmem_shared>>) target(%dma_start3A_97 : memref<128x128xf32, #tpu.memory_space<hbm>>) target_semaphore(%run_scoped3A : memref<!tpu.dma_semaphore, #tpu.memory_space<semaphore_mem>>)
      %dma_wait3A = arith.constant 0 : i32
      %dma_wait3A_100 = tpu.memref_slice %arg8[%arg0, %add3A_38, %dma_wait3A] : memref<2x10240x128xf32, #tpu.memory_space<hbm>> -> memref<1x128x128xf32, #tpu.memory_space<hbm>>
      %dma_wait3A_101 = tpu.memref_squeeze %dma_wait3A_100 : memref<1x128x128xf32, #tpu.memory_space<hbm>> -> memref<128x128xf32, #tpu.memory_space<hbm>>
      %dma_wait3A_102 = arith.constant 0 : i32
      %dma_wait3A_103 = tpu.memref_slice %arg13[%add3A_38, %dma_wait3A_102] : memref<10240x128xf32, #tpu.memory_space<vmem_shared>> -> memref<128x128xf32, #tpu.memory_space<vmem_shared>>
      tpu.wait_dma2 semaphore(%run_scoped3A : memref<!tpu.dma_semaphore, #tpu.memory_space<semaphore_mem>>) src(%dma_wait3A_103 : memref<128x128xf32, #tpu.memory_space<vmem_shared>>) dst(%dma_wait3A_101 : memref<128x128xf32, #tpu.memory_space<hbm>>)
      tpu.yield
    }) : () -> ()
    %mul3A_39 = arith.constant 640 : i32
    %mul3A_40 = arith.muli %arg1, %mul3A_39 : i32
    %add3A_41 = arith.constant 384 : i32
    %add3A_42 = arith.addi %mul3A_40, %add3A_41 : i32
    "tpu.region"() ({
      %run_scoped3A = tpu.sem_alloc : memref<!tpu.dma_semaphore, #tpu.memory_space<semaphore_mem>>
      %dma_start3A = arith.constant 0 : i32
      %dma_start3A_96 = tpu.memref_slice %arg8[%arg0, %add3A_42, %dma_start3A] : memref<2x10240x128xf32, #tpu.memory_space<hbm>> -> memref<1x128x128xf32, #tpu.memory_space<hbm>>
      %dma_start3A_97 = tpu.memref_squeeze %dma_start3A_96 : memref<1x128x128xf32, #tpu.memory_space<hbm>> -> memref<128x128xf32, #tpu.memory_space<hbm>>
      %dma_start3A_98 = arith.constant 0 : i32
      %dma_start3A_99 = tpu.memref_slice %arg13[%add3A_42, %dma_start3A_98] : memref<10240x128xf32, #tpu.memory_space<vmem_shared>> -> memref<128x128xf32, #tpu.memory_space<vmem_shared>>
      tpu.enqueue_dma source(%dma_start3A_99 : memref<128x128xf32, #tpu.memory_space<vmem_shared>>) target(%dma_start3A_97 : memref<128x128xf32, #tpu.memory_space<hbm>>) target_semaphore(%run_scoped3A : memref<!tpu.dma_semaphore, #tpu.memory_space<semaphore_mem>>)
      %dma_wait3A = arith.constant 0 : i32
      %dma_wait3A_100 = tpu.memref_slice %arg8[%arg0, %add3A_42, %dma_wait3A] : memref<2x10240x128xf32, #tpu.memory_space<hbm>> -> memref<1x128x128xf32, #tpu.memory_space<hbm>>
      %dma_wait3A_101 = tpu.memref_squeeze %dma_wait3A_100 : memref<1x128x128xf32, #tpu.memory_space<hbm>> -> memref<128x128xf32, #tpu.memory_space<hbm>>
      %dma_wait3A_102 = arith.constant 0 : i32
      %dma_wait3A_103 = tpu.memref_slice %arg13[%add3A_42, %dma_wait3A_102] : memref<10240x128xf32, #tpu.memory_space<vmem_shared>> -> memref<128x128xf32, #tpu.memory_space<vmem_shared>>
      tpu.wait_dma2 semaphore(%run_scoped3A : memref<!tpu.dma_semaphore, #tpu.memory_space<semaphore_mem>>) src(%dma_wait3A_103 : memref<128x128xf32, #tpu.memory_space<vmem_shared>>) dst(%dma_wait3A_101 : memref<128x128xf32, #tpu.memory_space<hbm>>)
      tpu.yield
    }) : () -> ()
    %mul3A_43 = arith.constant 640 : i32
    %mul3A_44 = arith.muli %arg1, %mul3A_43 : i32
    %add3A_45 = arith.constant 512 : i32
    %add3A_46 = arith.addi %mul3A_44, %add3A_45 : i32
    "tpu.region"() ({
      %run_scoped3A = tpu.sem_alloc : memref<!tpu.dma_semaphore, #tpu.memory_space<semaphore_mem>>
      %dma_start3A = arith.constant 0 : i32
      %dma_start3A_96 = tpu.memref_slice %arg8[%arg0, %add3A_46, %dma_start3A] : memref<2x10240x128xf32, #tpu.memory_space<hbm>> -> memref<1x128x128xf32, #tpu.memory_space<hbm>>
      %dma_start3A_97 = tpu.memref_squeeze %dma_start3A_96 : memref<1x128x128xf32, #tpu.memory_space<hbm>> -> memref<128x128xf32, #tpu.memory_space<hbm>>
      %dma_start3A_98 = arith.constant 0 : i32
      %dma_start3A_99 = tpu.memref_slice %arg13[%add3A_46, %dma_start3A_98] : memref<10240x128xf32, #tpu.memory_space<vmem_shared>> -> memref<128x128xf32, #tpu.memory_space<vmem_shared>>
      tpu.enqueue_dma source(%dma_start3A_99 : memref<128x128xf32, #tpu.memory_space<vmem_shared>>) target(%dma_start3A_97 : memref<128x128xf32, #tpu.memory_space<hbm>>) target_semaphore(%run_scoped3A : memref<!tpu.dma_semaphore, #tpu.memory_space<semaphore_mem>>)
      %dma_wait3A = arith.constant 0 : i32
      %dma_wait3A_100 = tpu.memref_slice %arg8[%arg0, %add3A_46, %dma_wait3A] : memref<2x10240x128xf32, #tpu.memory_space<hbm>> -> memref<1x128x128xf32, #tpu.memory_space<hbm>>
      %dma_wait3A_101 = tpu.memref_squeeze %dma_wait3A_100 : memref<1x128x128xf32, #tpu.memory_space<hbm>> -> memref<128x128xf32, #tpu.memory_space<hbm>>
      %dma_wait3A_102 = arith.constant 0 : i32
      %dma_wait3A_103 = tpu.memref_slice %arg13[%add3A_46, %dma_wait3A_102] : memref<10240x128xf32, #tpu.memory_space<vmem_shared>> -> memref<128x128xf32, #tpu.memory_space<vmem_shared>>
      tpu.wait_dma2 semaphore(%run_scoped3A : memref<!tpu.dma_semaphore, #tpu.memory_space<semaphore_mem>>) src(%dma_wait3A_103 : memref<128x128xf32, #tpu.memory_space<vmem_shared>>) dst(%dma_wait3A_101 : memref<128x128xf32, #tpu.memory_space<hbm>>)
      tpu.yield
    }) : () -> ()
    %barrier3A_47 = arith.constant 0 : index
    tpu.barrier barrier_id(%barrier3A_47)
    %mul3A_48 = arith.constant 640 : i32
    %mul3A_49 = arith.muli %arg1, %mul3A_48 : i32
    %add3A_50 = arith.constant 0 : i32
    %add3A_51 = arith.addi %mul3A_49, %add3A_50 : i32
    "tpu.region"() ({
      %run_scoped3A = tpu.sem_alloc : memref<!tpu.dma_semaphore, #tpu.memory_space<semaphore_mem>>
      %dma_start3A = arith.constant 0 : i32
      %dma_start3A_96 = tpu.memref_slice %arg13[%add3A_51, %dma_start3A] : memref<10240x128xf32, #tpu.memory_space<vmem_shared>> -> memref<128x128xf32, #tpu.memory_space<vmem_shared>>
      tpu.enqueue_dma source(%arg5 : memref<128x128xf32, #tpu.memory_space<hbm>>) target(%dma_start3A_96 : memref<128x128xf32, #tpu.memory_space<vmem_shared>>) target_semaphore(%run_scoped3A : memref<!tpu.dma_semaphore, #tpu.memory_space<semaphore_mem>>)
      %dma_wait3A = arith.constant 0 : i32
      %dma_wait3A_97 = tpu.memref_slice %arg13[%add3A_51, %dma_wait3A] : memref<10240x128xf32, #tpu.memory_space<vmem_shared>> -> memref<128x128xf32, #tpu.memory_space<vmem_shared>>
      tpu.wait_dma2 semaphore(%run_scoped3A : memref<!tpu.dma_semaphore, #tpu.memory_space<semaphore_mem>>) src(%arg5 : memref<128x128xf32, #tpu.memory_space<hbm>>) dst(%dma_wait3A_97 : memref<128x128xf32, #tpu.memory_space<vmem_shared>>)
      tpu.yield
    }) : () -> ()
    %mul3A_52 = arith.constant 640 : i32
    %mul3A_53 = arith.muli %arg1, %mul3A_52 : i32
    %add3A_54 = arith.constant 128 : i32
    %add3A_55 = arith.addi %mul3A_53, %add3A_54 : i32
    "tpu.region"() ({
      %run_scoped3A = tpu.sem_alloc : memref<!tpu.dma_semaphore, #tpu.memory_space<semaphore_mem>>
      %dma_start3A = arith.constant 0 : i32
      %dma_start3A_96 = tpu.memref_slice %arg13[%add3A_55, %dma_start3A] : memref<10240x128xf32, #tpu.memory_space<vmem_shared>> -> memref<128x128xf32, #tpu.memory_space<vmem_shared>>
      tpu.enqueue_dma source(%arg5 : memref<128x128xf32, #tpu.memory_space<hbm>>) target(%dma_start3A_96 : memref<128x128xf32, #tpu.memory_space<vmem_shared>>) target_semaphore(%run_scoped3A : memref<!tpu.dma_semaphore, #tpu.memory_space<semaphore_mem>>)
      %dma_wait3A = arith.constant 0 : i32
      %dma_wait3A_97 = tpu.memref_slice %arg13[%add3A_55, %dma_wait3A] : memref<10240x128xf32, #tpu.memory_space<vmem_shared>> -> memref<128x128xf32, #tpu.memory_space<vmem_shared>>
      tpu.wait_dma2 semaphore(%run_scoped3A : memref<!tpu.dma_semaphore, #tpu.memory_space<semaphore_mem>>) src(%arg5 : memref<128x128xf32, #tpu.memory_space<hbm>>) dst(%dma_wait3A_97 : memref<128x128xf32, #tpu.memory_space<vmem_shared>>)
      tpu.yield
    }) : () -> ()
    %mul3A_56 = arith.constant 640 : i32
    %mul3A_57 = arith.muli %arg1, %mul3A_56 : i32
    %add3A_58 = arith.constant 256 : i32
    %add3A_59 = arith.addi %mul3A_57, %add3A_58 : i32
    "tpu.region"() ({
      %run_scoped3A = tpu.sem_alloc : memref<!tpu.dma_semaphore, #tpu.memory_space<semaphore_mem>>
      %dma_start3A = arith.constant 0 : i32
      %dma_start3A_96 = tpu.memref_slice %arg13[%add3A_59, %dma_start3A] : memref<10240x128xf32, #tpu.memory_space<vmem_shared>> -> memref<128x128xf32, #tpu.memory_space<vmem_shared>>
      tpu.enqueue_dma source(%arg5 : memref<128x128xf32, #tpu.memory_space<hbm>>) target(%dma_start3A_96 : memref<128x128xf32, #tpu.memory_space<vmem_shared>>) target_semaphore(%run_scoped3A : memref<!tpu.dma_semaphore, #tpu.memory_space<semaphore_mem>>)
      %dma_wait3A = arith.constant 0 : i32
      %dma_wait3A_97 = tpu.memref_slice %arg13[%add3A_59, %dma_wait3A] : memref<10240x128xf32, #tpu.memory_space<vmem_shared>> -> memref<128x128xf32, #tpu.memory_space<vmem_shared>>
      tpu.wait_dma2 semaphore(%run_scoped3A : memref<!tpu.dma_semaphore, #tpu.memory_space<semaphore_mem>>) src(%arg5 : memref<128x128xf32, #tpu.memory_space<hbm>>) dst(%dma_wait3A_97 : memref<128x128xf32, #tpu.memory_space<vmem_shared>>)
      tpu.yield
    }) : () -> ()
    %mul3A_60 = arith.constant 640 : i32
    %mul3A_61 = arith.muli %arg1, %mul3A_60 : i32
    %add3A_62 = arith.constant 384 : i32
    %add3A_63 = arith.addi %mul3A_61, %add3A_62 : i32
    "tpu.region"() ({
      %run_scoped3A = tpu.sem_alloc : memref<!tpu.dma_semaphore, #tpu.memory_space<semaphore_mem>>
      %dma_start3A = arith.constant 0 : i32
      %dma_start3A_96 = tpu.memref_slice %arg13[%add3A_63, %dma_start3A] : memref<10240x128xf32, #tpu.memory_space<vmem_shared>> -> memref<128x128xf32, #tpu.memory_space<vmem_shared>>
      tpu.enqueue_dma source(%arg5 : memref<128x128xf32, #tpu.memory_space<hbm>>) target(%dma_start3A_96 : memref<128x128xf32, #tpu.memory_space<vmem_shared>>) target_semaphore(%run_scoped3A : memref<!tpu.dma_semaphore, #tpu.memory_space<semaphore_mem>>)
      %dma_wait3A = arith.constant 0 : i32
      %dma_wait3A_97 = tpu.memref_slice %arg13[%add3A_63, %dma_wait3A] : memref<10240x128xf32, #tpu.memory_space<vmem_shared>> -> memref<128x128xf32, #tpu.memory_space<vmem_shared>>
      tpu.wait_dma2 semaphore(%run_scoped3A : memref<!tpu.dma_semaphore, #tpu.memory_space<semaphore_mem>>) src(%arg5 : memref<128x128xf32, #tpu.memory_space<hbm>>) dst(%dma_wait3A_97 : memref<128x128xf32, #tpu.memory_space<vmem_shared>>)
      tpu.yield
    }) : () -> ()
    %mul3A_64 = arith.constant 640 : i32
    %mul3A_65 = arith.muli %arg1, %mul3A_64 : i32
    %add3A_66 = arith.constant 512 : i32
    %add3A_67 = arith.addi %mul3A_65, %add3A_66 : i32
    "tpu.region"() ({
      %run_scoped3A = tpu.sem_alloc : memref<!tpu.dma_semaphore, #tpu.memory_space<semaphore_mem>>
      %dma_start3A = arith.constant 0 : i32
      %dma_start3A_96 = tpu.memref_slice %arg13[%add3A_67, %dma_start3A] : memref<10240x128xf32, #tpu.memory_space<vmem_shared>> -> memref<128x128xf32, #tpu.memory_space<vmem_shared>>
      tpu.enqueue_dma source(%arg5 : memref<128x128xf32, #tpu.memory_space<hbm>>) target(%dma_start3A_96 : memref<128x128xf32, #tpu.memory_space<vmem_shared>>) target_semaphore(%run_scoped3A : memref<!tpu.dma_semaphore, #tpu.memory_space<semaphore_mem>>)
      %dma_wait3A = arith.constant 0 : i32
      %dma_wait3A_97 = tpu.memref_slice %arg13[%add3A_67, %dma_wait3A] : memref<10240x128xf32, #tpu.memory_space<vmem_shared>> -> memref<128x128xf32, #tpu.memory_space<vmem_shared>>
      tpu.wait_dma2 semaphore(%run_scoped3A : memref<!tpu.dma_semaphore, #tpu.memory_space<semaphore_mem>>) src(%arg5 : memref<128x128xf32, #tpu.memory_space<hbm>>) dst(%dma_wait3A_97 : memref<128x128xf32, #tpu.memory_space<vmem_shared>>)
      tpu.yield
    }) : () -> ()
    %barrier3A_68 = arith.constant 0 : index
    tpu.barrier barrier_id(%barrier3A_68)
    %scan3A_69 = arith.constant 0 : i32
    %scan3A_70 = arith.constant 0 : i32
    %scan3A_71 = arith.constant 79 : i32
    %scan3A_72 = arith.addi %scan3A_70, %scan3A_71 : i32
    %scan3A_73 = arith.constant 1 : i32
    scf.for %scan3A_96 = %scan3A_70 to %scan3A_72 step %scan3A_73  : i32 {
      %mul3A_97 = arith.constant 79 : i32
      %mul3A_98 = arith.muli %add3A, %mul3A_97 : i32
      %add3A_99 = arith.addi %mul3A_98, %scan3A_96 : i32
      %mul3A_100 = arith.constant 128 : i32
      %mul3A_101 = arith.muli %add3A_99, %mul3A_100 : i32
      %multiple_of3A = tpu.assume_multiple %mul3A_101, 128 : i32
      "tpu.region"() ({
        %run_scoped3A = tpu.sem_alloc : memref<!tpu.dma_semaphore, #tpu.memory_space<semaphore_mem>>
        %dma_start3A_106 = tpu.memref_slice %arg3[%multiple_of3A] : memref<323584xi32, #tpu.memory_space<hbm>> -> memref<128xi32, #tpu.memory_space<hbm>>
        %dma_start3A_107 = tpu.memref_slice %arg3[%multiple_of3A] : memref<323584xi32, #tpu.memory_space<hbm>> -> memref<128xi32, #tpu.memory_space<hbm>>
        tpu.enqueue_dma source(%dma_start3A_107 : memref<128xi32, #tpu.memory_space<hbm>>) target(%arg9 : memref<128xi32, #tpu.memory_space<vmem>>) target_semaphore(%run_scoped3A : memref<!tpu.dma_semaphore, #tpu.memory_space<semaphore_mem>>)
        %dma_wait3A_108 = tpu.memref_slice %arg3[%multiple_of3A] : memref<323584xi32, #tpu.memory_space<hbm>> -> memref<128xi32, #tpu.memory_space<hbm>>
        %dma_wait3A_109 = tpu.memref_slice %arg3[%multiple_of3A] : memref<323584xi32, #tpu.memory_space<hbm>> -> memref<128xi32, #tpu.memory_space<hbm>>
        tpu.wait_dma2 semaphore(%run_scoped3A : memref<!tpu.dma_semaphore, #tpu.memory_space<semaphore_mem>>) src(%dma_wait3A_109 : memref<128xi32, #tpu.memory_space<hbm>>) dst(%arg9 : memref<128xi32, #tpu.memory_space<vmem>>)
        tpu.yield
      }) : () -> ()
      "tpu.region"() ({
        %run_scoped3A = tpu.sem_alloc : memref<!tpu.dma_semaphore, #tpu.memory_space<semaphore_mem>>
        %dma_start3A_106 = tpu.memref_slice %arg4[%multiple_of3A] : memref<323584xi32, #tpu.memory_space<hbm>> -> memref<128xi32, #tpu.memory_space<hbm>>
        %dma_start3A_107 = tpu.memref_slice %arg4[%multiple_of3A] : memref<323584xi32, #tpu.memory_space<hbm>> -> memref<128xi32, #tpu.memory_space<hbm>>
        tpu.enqueue_dma source(%dma_start3A_107 : memref<128xi32, #tpu.memory_space<hbm>>) target(%arg10 : memref<128xi32, #tpu.memory_space<vmem>>) target_semaphore(%run_scoped3A : memref<!tpu.dma_semaphore, #tpu.memory_space<semaphore_mem>>)
        %dma_wait3A_108 = tpu.memref_slice %arg4[%multiple_of3A] : memref<323584xi32, #tpu.memory_space<hbm>> -> memref<128xi32, #tpu.memory_space<hbm>>
        %dma_wait3A_109 = tpu.memref_slice %arg4[%multiple_of3A] : memref<323584xi32, #tpu.memory_space<hbm>> -> memref<128xi32, #tpu.memory_space<hbm>>
        tpu.wait_dma2 semaphore(%run_scoped3A : memref<!tpu.dma_semaphore, #tpu.memory_space<semaphore_mem>>) src(%dma_wait3A_109 : memref<128xi32, #tpu.memory_space<hbm>>) dst(%arg10 : memref<128xi32, #tpu.memory_space<vmem>>)
        tpu.yield
      }) : () -> ()
      %dma_start3A = arith.constant 0 : i32
      %dma_start3A_102 = arith.constant 0 : i32
      %dma_start3A_103 = tpu.memref_slice %arg2[%dma_start3A, %dma_start3A_102] : memref<10240x128xf32, #tpu.memory_space<hbm>> -> memref<10240x128xf32, #tpu.memory_space<hbm>>
      tpu.enqueue_indirect_dma source(%dma_start3A_103 : memref<10240x128xf32, #tpu.memory_space<hbm>>) target(%arg11 : memref<128x128xf32, #tpu.memory_space<vmem>>) offsets(%arg9 : memref<128xi32, #tpu.memory_space<vmem>>) semaphore(%arg14 : memref<!tpu.dma_semaphore, #tpu.memory_space<semaphore_mem>>)
      %dma_wait3A = arith.constant 0 : i32
      %dma_wait3A_104 = arith.constant 0 : i32
      %dma_wait3A_105 = tpu.memref_slice %arg2[%dma_wait3A, %dma_wait3A_104] : memref<10240x128xf32, #tpu.memory_space<hbm>> -> memref<10240x128xf32, #tpu.memory_space<hbm>>
      tpu.wait_indirect_dma semaphore(%arg14 : memref<!tpu.dma_semaphore, #tpu.memory_space<semaphore_mem>>) src(%dma_wait3A_105 : memref<10240x128xf32, #tpu.memory_space<hbm>>) dst(%arg11 : memref<128x128xf32, #tpu.memory_space<vmem>>)
      "tpu.region"() ({
        %run_scoped3A = tpu.sem_alloc : memref<!tpu.dma_semaphore, #tpu.memory_space<semaphore_mem>>
        %dma_start3A_106 = arith.constant 0 : i32
        %dma_start3A_107 = arith.constant 0 : i32
        %dma_start3A_108 = tpu.memref_slice %arg13[%dma_start3A_106, %dma_start3A_107] : memref<10240x128xf32, #tpu.memory_space<vmem_shared>> -> memref<10240x128xf32, #tpu.memory_space<vmem_shared>>
        tpu.enqueue_indirect_dma source(%arg11 : memref<128x128xf32, #tpu.memory_space<vmem>>) target(%dma_start3A_108 : memref<10240x128xf32, #tpu.memory_space<vmem_shared>>) offsets(%arg10 : memref<128xi32, #tpu.memory_space<vmem>>) semaphore(%run_scoped3A : memref<!tpu.dma_semaphore, #tpu.memory_space<semaphore_mem>>) {add = true}
        %dma_wait3A_109 = arith.constant 0 : i32
        %dma_wait3A_110 = arith.constant 0 : i32
        %dma_wait3A_111 = tpu.memref_slice %arg13[%dma_wait3A_109, %dma_wait3A_110] : memref<10240x128xf32, #tpu.memory_space<vmem_shared>> -> memref<10240x128xf32, #tpu.memory_space<vmem_shared>>
        tpu.wait_indirect_dma semaphore(%run_scoped3A : memref<!tpu.dma_semaphore, #tpu.memory_space<semaphore_mem>>) src(%arg11 : memref<128x128xf32, #tpu.memory_space<vmem>>) dst(%dma_wait3A_111 : memref<10240x128xf32, #tpu.memory_space<vmem_shared>>)
        tpu.yield
      }) : () -> ()
    }
    %scan3A_74 = arith.constant 79 : i32
    %barrier3A_75 = arith.constant 0 : index
    tpu.barrier barrier_id(%barrier3A_75)
    %mul3A_76 = arith.constant 640 : i32
    %mul3A_77 = arith.muli %arg1, %mul3A_76 : i32
    %add3A_78 = arith.constant 0 : i32
    %add3A_79 = arith.addi %mul3A_77, %add3A_78 : i32
    "tpu.region"() ({
      %run_scoped3A = tpu.sem_alloc : memref<!tpu.dma_semaphore, #tpu.memory_space<semaphore_mem>>
      %dma_start3A = arith.constant 0 : i32
      %dma_start3A_96 = tpu.memref_slice %arg7[%arg0, %add3A_79, %dma_start3A] : memref<2x10240x128xf32, #tpu.memory_space<hbm>> -> memref<1x128x128xf32, #tpu.memory_space<hbm>>
      %dma_start3A_97 = tpu.memref_squeeze %dma_start3A_96 : memref<1x128x128xf32, #tpu.memory_space<hbm>> -> memref<128x128xf32, #tpu.memory_space<hbm>>
      %dma_start3A_98 = arith.constant 0 : i32
      %dma_start3A_99 = tpu.memref_slice %arg13[%add3A_79, %dma_start3A_98] : memref<10240x128xf32, #tpu.memory_space<vmem_shared>> -> memref<128x128xf32, #tpu.memory_space<vmem_shared>>
      tpu.enqueue_dma source(%dma_start3A_99 : memref<128x128xf32, #tpu.memory_space<vmem_shared>>) target(%dma_start3A_97 : memref<128x128xf32, #tpu.memory_space<hbm>>) target_semaphore(%run_scoped3A : memref<!tpu.dma_semaphore, #tpu.memory_space<semaphore_mem>>)
      %dma_wait3A = arith.constant 0 : i32
      %dma_wait3A_100 = tpu.memref_slice %arg7[%arg0, %add3A_79, %dma_wait3A] : memref<2x10240x128xf32, #tpu.memory_space<hbm>> -> memref<1x128x128xf32, #tpu.memory_space<hbm>>
      %dma_wait3A_101 = tpu.memref_squeeze %dma_wait3A_100 : memref<1x128x128xf32, #tpu.memory_space<hbm>> -> memref<128x128xf32, #tpu.memory_space<hbm>>
      %dma_wait3A_102 = arith.constant 0 : i32
      %dma_wait3A_103 = tpu.memref_slice %arg13[%add3A_79, %dma_wait3A_102] : memref<10240x128xf32, #tpu.memory_space<vmem_shared>> -> memref<128x128xf32, #tpu.memory_space<vmem_shared>>
      tpu.wait_dma2 semaphore(%run_scoped3A : memref<!tpu.dma_semaphore, #tpu.memory_space<semaphore_mem>>) src(%dma_wait3A_103 : memref<128x128xf32, #tpu.memory_space<vmem_shared>>) dst(%dma_wait3A_101 : memref<128x128xf32, #tpu.memory_space<hbm>>)
      tpu.yield
    }) : () -> ()
    %mul3A_80 = arith.constant 640 : i32
    %mul3A_81 = arith.muli %arg1, %mul3A_80 : i32
    %add3A_82 = arith.constant 128 : i32
    %add3A_83 = arith.addi %mul3A_81, %add3A_82 : i32
    "tpu.region"() ({
      %run_scoped3A = tpu.sem_alloc : memref<!tpu.dma_semaphore, #tpu.memory_space<semaphore_mem>>
      %dma_start3A = arith.constant 0 : i32
      %dma_start3A_96 = tpu.memref_slice %arg7[%arg0, %add3A_83, %dma_start3A] : memref<2x10240x128xf32, #tpu.memory_space<hbm>> -> memref<1x128x128xf32, #tpu.memory_space<hbm>>
      %dma_start3A_97 = tpu.memref_squeeze %dma_start3A_96 : memref<1x128x128xf32, #tpu.memory_space<hbm>> -> memref<128x128xf32, #tpu.memory_space<hbm>>
      %dma_start3A_98 = arith.constant 0 : i32
      %dma_start3A_99 = tpu.memref_slice %arg13[%add3A_83, %dma_start3A_98] : memref<10240x128xf32, #tpu.memory_space<vmem_shared>> -> memref<128x128xf32, #tpu.memory_space<vmem_shared>>
      tpu.enqueue_dma source(%dma_start3A_99 : memref<128x128xf32, #tpu.memory_space<vmem_shared>>) target(%dma_start3A_97 : memref<128x128xf32, #tpu.memory_space<hbm>>) target_semaphore(%run_scoped3A : memref<!tpu.dma_semaphore, #tpu.memory_space<semaphore_mem>>)
      %dma_wait3A = arith.constant 0 : i32
      %dma_wait3A_100 = tpu.memref_slice %arg7[%arg0, %add3A_83, %dma_wait3A] : memref<2x10240x128xf32, #tpu.memory_space<hbm>> -> memref<1x128x128xf32, #tpu.memory_space<hbm>>
      %dma_wait3A_101 = tpu.memref_squeeze %dma_wait3A_100 : memref<1x128x128xf32, #tpu.memory_space<hbm>> -> memref<128x128xf32, #tpu.memory_space<hbm>>
      %dma_wait3A_102 = arith.constant 0 : i32
      %dma_wait3A_103 = tpu.memref_slice %arg13[%add3A_83, %dma_wait3A_102] : memref<10240x128xf32, #tpu.memory_space<vmem_shared>> -> memref<128x128xf32, #tpu.memory_space<vmem_shared>>
      tpu.wait_dma2 semaphore(%run_scoped3A : memref<!tpu.dma_semaphore, #tpu.memory_space<semaphore_mem>>) src(%dma_wait3A_103 : memref<128x128xf32, #tpu.memory_space<vmem_shared>>) dst(%dma_wait3A_101 : memref<128x128xf32, #tpu.memory_space<hbm>>)
      tpu.yield
    }) : () -> ()
    %mul3A_84 = arith.constant 640 : i32
    %mul3A_85 = arith.muli %arg1, %mul3A_84 : i32
    %add3A_86 = arith.constant 256 : i32
    %add3A_87 = arith.addi %mul3A_85, %add3A_86 : i32
    "tpu.region"() ({
      %run_scoped3A = tpu.sem_alloc : memref<!tpu.dma_semaphore, #tpu.memory_space<semaphore_mem>>
      %dma_start3A = arith.constant 0 : i32
      %dma_start3A_96 = tpu.memref_slice %arg7[%arg0, %add3A_87, %dma_start3A] : memref<2x10240x128xf32, #tpu.memory_space<hbm>> -> memref<1x128x128xf32, #tpu.memory_space<hbm>>
      %dma_start3A_97 = tpu.memref_squeeze %dma_start3A_96 : memref<1x128x128xf32, #tpu.memory_space<hbm>> -> memref<128x128xf32, #tpu.memory_space<hbm>>
      %dma_start3A_98 = arith.constant 0 : i32
      %dma_start3A_99 = tpu.memref_slice %arg13[%add3A_87, %dma_start3A_98] : memref<10240x128xf32, #tpu.memory_space<vmem_shared>> -> memref<128x128xf32, #tpu.memory_space<vmem_shared>>
      tpu.enqueue_dma source(%dma_start3A_99 : memref<128x128xf32, #tpu.memory_space<vmem_shared>>) target(%dma_start3A_97 : memref<128x128xf32, #tpu.memory_space<hbm>>) target_semaphore(%run_scoped3A : memref<!tpu.dma_semaphore, #tpu.memory_space<semaphore_mem>>)
      %dma_wait3A = arith.constant 0 : i32
      %dma_wait3A_100 = tpu.memref_slice %arg7[%arg0, %add3A_87, %dma_wait3A] : memref<2x10240x128xf32, #tpu.memory_space<hbm>> -> memref<1x128x128xf32, #tpu.memory_space<hbm>>
      %dma_wait3A_101 = tpu.memref_squeeze %dma_wait3A_100 : memref<1x128x128xf32, #tpu.memory_space<hbm>> -> memref<128x128xf32, #tpu.memory_space<hbm>>
      %dma_wait3A_102 = arith.constant 0 : i32
      %dma_wait3A_103 = tpu.memref_slice %arg13[%add3A_87, %dma_wait3A_102] : memref<10240x128xf32, #tpu.memory_space<vmem_shared>> -> memref<128x128xf32, #tpu.memory_space<vmem_shared>>
      tpu.wait_dma2 semaphore(%run_scoped3A : memref<!tpu.dma_semaphore, #tpu.memory_space<semaphore_mem>>) src(%dma_wait3A_103 : memref<128x128xf32, #tpu.memory_space<vmem_shared>>) dst(%dma_wait3A_101 : memref<128x128xf32, #tpu.memory_space<hbm>>)
      tpu.yield
    }) : () -> ()
    %mul3A_88 = arith.constant 640 : i32
    %mul3A_89 = arith.muli %arg1, %mul3A_88 : i32
    %add3A_90 = arith.constant 384 : i32
    %add3A_91 = arith.addi %mul3A_89, %add3A_90 : i32
    "tpu.region"() ({
      %run_scoped3A = tpu.sem_alloc : memref<!tpu.dma_semaphore, #tpu.memory_space<semaphore_mem>>
      %dma_start3A = arith.constant 0 : i32
      %dma_start3A_96 = tpu.memref_slice %arg7[%arg0, %add3A_91, %dma_start3A] : memref<2x10240x128xf32, #tpu.memory_space<hbm>> -> memref<1x128x128xf32, #tpu.memory_space<hbm>>
      %dma_start3A_97 = tpu.memref_squeeze %dma_start3A_96 : memref<1x128x128xf32, #tpu.memory_space<hbm>> -> memref<128x128xf32, #tpu.memory_space<hbm>>
      %dma_start3A_98 = arith.constant 0 : i32
      %dma_start3A_99 = tpu.memref_slice %arg13[%add3A_91, %dma_start3A_98] : memref<10240x128xf32, #tpu.memory_space<vmem_shared>> -> memref<128x128xf32, #tpu.memory_space<vmem_shared>>
      tpu.enqueue_dma source(%dma_start3A_99 : memref<128x128xf32, #tpu.memory_space<vmem_shared>>) target(%dma_start3A_97 : memref<128x128xf32, #tpu.memory_space<hbm>>) target_semaphore(%run_scoped3A : memref<!tpu.dma_semaphore, #tpu.memory_space<semaphore_mem>>)
      %dma_wait3A = arith.constant 0 : i32
      %dma_wait3A_100 = tpu.memref_slice %arg7[%arg0, %add3A_91, %dma_wait3A] : memref<2x10240x128xf32, #tpu.memory_space<hbm>> -> memref<1x128x128xf32, #tpu.memory_space<hbm>>
      %dma_wait3A_101 = tpu.memref_squeeze %dma_wait3A_100 : memref<1x128x128xf32, #tpu.memory_space<hbm>> -> memref<128x128xf32, #tpu.memory_space<hbm>>
      %dma_wait3A_102 = arith.constant 0 : i32
      %dma_wait3A_103 = tpu.memref_slice %arg13[%add3A_91, %dma_wait3A_102] : memref<10240x128xf32, #tpu.memory_space<vmem_shared>> -> memref<128x128xf32, #tpu.memory_space<vmem_shared>>
      tpu.wait_dma2 semaphore(%run_scoped3A : memref<!tpu.dma_semaphore, #tpu.memory_space<semaphore_mem>>) src(%dma_wait3A_103 : memref<128x128xf32, #tpu.memory_space<vmem_shared>>) dst(%dma_wait3A_101 : memref<128x128xf32, #tpu.memory_space<hbm>>)
      tpu.yield
    }) : () -> ()
    %mul3A_92 = arith.constant 640 : i32
    %mul3A_93 = arith.muli %arg1, %mul3A_92 : i32
    %add3A_94 = arith.constant 512 : i32
    %add3A_95 = arith.addi %mul3A_93, %add3A_94 : i32
    "tpu.region"() ({
      %run_scoped3A = tpu.sem_alloc : memref<!tpu.dma_semaphore, #tpu.memory_space<semaphore_mem>>
      %dma_start3A = arith.constant 0 : i32
      %dma_start3A_96 = tpu.memref_slice %arg7[%arg0, %add3A_95, %dma_start3A] : memref<2x10240x128xf32, #tpu.memory_space<hbm>> -> memref<1x128x128xf32, #tpu.memory_space<hbm>>
      %dma_start3A_97 = tpu.memref_squeeze %dma_start3A_96 : memref<1x128x128xf32, #tpu.memory_space<hbm>> -> memref<128x128xf32, #tpu.memory_space<hbm>>
      %dma_start3A_98 = arith.constant 0 : i32
      %dma_start3A_99 = tpu.memref_slice %arg13[%add3A_95, %dma_start3A_98] : memref<10240x128xf32, #tpu.memory_space<vmem_shared>> -> memref<128x128xf32, #tpu.memory_space<vmem_shared>>
      tpu.enqueue_dma source(%dma_start3A_99 : memref<128x128xf32, #tpu.memory_space<vmem_shared>>) target(%dma_start3A_97 : memref<128x128xf32, #tpu.memory_space<hbm>>) target_semaphore(%run_scoped3A : memref<!tpu.dma_semaphore, #tpu.memory_space<semaphore_mem>>)
      %dma_wait3A = arith.constant 0 : i32
      %dma_wait3A_100 = tpu.memref_slice %arg7[%arg0, %add3A_95, %dma_wait3A] : memref<2x10240x128xf32, #tpu.memory_space<hbm>> -> memref<1x128x128xf32, #tpu.memory_space<hbm>>
      %dma_wait3A_101 = tpu.memref_squeeze %dma_wait3A_100 : memref<1x128x128xf32, #tpu.memory_space<hbm>> -> memref<128x128xf32, #tpu.memory_space<hbm>>
      %dma_wait3A_102 = arith.constant 0 : i32
      %dma_wait3A_103 = tpu.memref_slice %arg13[%add3A_95, %dma_wait3A_102] : memref<10240x128xf32, #tpu.memory_space<vmem_shared>> -> memref<128x128xf32, #tpu.memory_space<vmem_shared>>
      tpu.wait_dma2 semaphore(%run_scoped3A : memref<!tpu.dma_semaphore, #tpu.memory_space<semaphore_mem>>) src(%dma_wait3A_103 : memref<128x128xf32, #tpu.memory_space<vmem_shared>>) dst(%dma_wait3A_101 : memref<128x128xf32, #tpu.memory_space<hbm>>)
      tpu.yield
    }) : () -> ()
    return
  }
}

#map = affine_map<(d0, d1) -> (0, 0)>
#map1 = affine_map<(d0, d1) -> (0)>
#map2 = affine_map<(d0, d1) -> (0, 0, 0)>
module attributes {stable_mosaic.version = 14 : i64} {
  func.func @_sc_plain_body(%arg0: i32, %arg1: i32, %arg2: memref<10240x128xf32, #tpu.memory_space<hbm>>, %arg3: memref<323584xi32, #tpu.memory_space<hbm>>, %arg4: memref<323584xi32, #tpu.memory_space<hbm>>, %arg5: memref<128x128xf32, #tpu.memory_space<hbm>>, %arg6: memref<2x10240x128xf32, #tpu.memory_space<hbm>>, %arg7: memref<128xi32, #tpu.memory_space<vmem>>, %arg8: memref<128xi32, #tpu.memory_space<vmem>>, %arg9: memref<128x128xf32, #tpu.memory_space<vmem>>, %arg10: memref<10240x128xf32, #tpu.memory_space<vmem_shared>>, %arg11: memref<!tpu.dma_semaphore, #tpu.memory_space<semaphore_mem>>) attributes {dimension_semantics = [#tpu.dimension_semantics<core_parallel>, #tpu.dimension_semantics<subcore_parallel>], iteration_bounds = array<i64: 2, 16>, scalar_prefetch = 0 : i64, scratch_operands = 5 : i64, tpu.core_type = #tpu.core_type<sc_vector_subcore>, window_params = [{transform_indices = #map}, {transform_indices = #map1}, {transform_indices = #map1}, {transform_indices = #map}, {transform_indices = #map2}]} {
    %mul3A = arith.constant 2 : i32
    %mul3A_0 = arith.muli %arg1, %mul3A : i32
    %add3A = arith.addi %mul3A_0, %arg0 : i32
    %mul3A_1 = arith.constant 640 : i32
    %mul3A_2 = arith.muli %arg1, %mul3A_1 : i32
    %add3A_3 = arith.constant 0 : i32
    %add3A_4 = arith.addi %mul3A_2, %add3A_3 : i32
    "tpu.region"() ({
      %run_scoped3A = tpu.sem_alloc : memref<!tpu.dma_semaphore, #tpu.memory_space<semaphore_mem>>
      %dma_start3A = arith.constant 0 : i32
      %dma_start3A_47 = tpu.memref_slice %arg10[%add3A_4, %dma_start3A] : memref<10240x128xf32, #tpu.memory_space<vmem_shared>> -> memref<128x128xf32, #tpu.memory_space<vmem_shared>>
      tpu.enqueue_dma source(%arg5 : memref<128x128xf32, #tpu.memory_space<hbm>>) target(%dma_start3A_47 : memref<128x128xf32, #tpu.memory_space<vmem_shared>>) target_semaphore(%run_scoped3A : memref<!tpu.dma_semaphore, #tpu.memory_space<semaphore_mem>>)
      %dma_wait3A = arith.constant 0 : i32
      %dma_wait3A_48 = tpu.memref_slice %arg10[%add3A_4, %dma_wait3A] : memref<10240x128xf32, #tpu.memory_space<vmem_shared>> -> memref<128x128xf32, #tpu.memory_space<vmem_shared>>
      tpu.wait_dma2 semaphore(%run_scoped3A : memref<!tpu.dma_semaphore, #tpu.memory_space<semaphore_mem>>) src(%arg5 : memref<128x128xf32, #tpu.memory_space<hbm>>) dst(%dma_wait3A_48 : memref<128x128xf32, #tpu.memory_space<vmem_shared>>)
      tpu.yield
    }) : () -> ()
    %mul3A_5 = arith.constant 640 : i32
    %mul3A_6 = arith.muli %arg1, %mul3A_5 : i32
    %add3A_7 = arith.constant 128 : i32
    %add3A_8 = arith.addi %mul3A_6, %add3A_7 : i32
    "tpu.region"() ({
      %run_scoped3A = tpu.sem_alloc : memref<!tpu.dma_semaphore, #tpu.memory_space<semaphore_mem>>
      %dma_start3A = arith.constant 0 : i32
      %dma_start3A_47 = tpu.memref_slice %arg10[%add3A_8, %dma_start3A] : memref<10240x128xf32, #tpu.memory_space<vmem_shared>> -> memref<128x128xf32, #tpu.memory_space<vmem_shared>>
      tpu.enqueue_dma source(%arg5 : memref<128x128xf32, #tpu.memory_space<hbm>>) target(%dma_start3A_47 : memref<128x128xf32, #tpu.memory_space<vmem_shared>>) target_semaphore(%run_scoped3A : memref<!tpu.dma_semaphore, #tpu.memory_space<semaphore_mem>>)
      %dma_wait3A = arith.constant 0 : i32
      %dma_wait3A_48 = tpu.memref_slice %arg10[%add3A_8, %dma_wait3A] : memref<10240x128xf32, #tpu.memory_space<vmem_shared>> -> memref<128x128xf32, #tpu.memory_space<vmem_shared>>
      tpu.wait_dma2 semaphore(%run_scoped3A : memref<!tpu.dma_semaphore, #tpu.memory_space<semaphore_mem>>) src(%arg5 : memref<128x128xf32, #tpu.memory_space<hbm>>) dst(%dma_wait3A_48 : memref<128x128xf32, #tpu.memory_space<vmem_shared>>)
      tpu.yield
    }) : () -> ()
    %mul3A_9 = arith.constant 640 : i32
    %mul3A_10 = arith.muli %arg1, %mul3A_9 : i32
    %add3A_11 = arith.constant 256 : i32
    %add3A_12 = arith.addi %mul3A_10, %add3A_11 : i32
    "tpu.region"() ({
      %run_scoped3A = tpu.sem_alloc : memref<!tpu.dma_semaphore, #tpu.memory_space<semaphore_mem>>
      %dma_start3A = arith.constant 0 : i32
      %dma_start3A_47 = tpu.memref_slice %arg10[%add3A_12, %dma_start3A] : memref<10240x128xf32, #tpu.memory_space<vmem_shared>> -> memref<128x128xf32, #tpu.memory_space<vmem_shared>>
      tpu.enqueue_dma source(%arg5 : memref<128x128xf32, #tpu.memory_space<hbm>>) target(%dma_start3A_47 : memref<128x128xf32, #tpu.memory_space<vmem_shared>>) target_semaphore(%run_scoped3A : memref<!tpu.dma_semaphore, #tpu.memory_space<semaphore_mem>>)
      %dma_wait3A = arith.constant 0 : i32
      %dma_wait3A_48 = tpu.memref_slice %arg10[%add3A_12, %dma_wait3A] : memref<10240x128xf32, #tpu.memory_space<vmem_shared>> -> memref<128x128xf32, #tpu.memory_space<vmem_shared>>
      tpu.wait_dma2 semaphore(%run_scoped3A : memref<!tpu.dma_semaphore, #tpu.memory_space<semaphore_mem>>) src(%arg5 : memref<128x128xf32, #tpu.memory_space<hbm>>) dst(%dma_wait3A_48 : memref<128x128xf32, #tpu.memory_space<vmem_shared>>)
      tpu.yield
    }) : () -> ()
    %mul3A_13 = arith.constant 640 : i32
    %mul3A_14 = arith.muli %arg1, %mul3A_13 : i32
    %add3A_15 = arith.constant 384 : i32
    %add3A_16 = arith.addi %mul3A_14, %add3A_15 : i32
    "tpu.region"() ({
      %run_scoped3A = tpu.sem_alloc : memref<!tpu.dma_semaphore, #tpu.memory_space<semaphore_mem>>
      %dma_start3A = arith.constant 0 : i32
      %dma_start3A_47 = tpu.memref_slice %arg10[%add3A_16, %dma_start3A] : memref<10240x128xf32, #tpu.memory_space<vmem_shared>> -> memref<128x128xf32, #tpu.memory_space<vmem_shared>>
      tpu.enqueue_dma source(%arg5 : memref<128x128xf32, #tpu.memory_space<hbm>>) target(%dma_start3A_47 : memref<128x128xf32, #tpu.memory_space<vmem_shared>>) target_semaphore(%run_scoped3A : memref<!tpu.dma_semaphore, #tpu.memory_space<semaphore_mem>>)
      %dma_wait3A = arith.constant 0 : i32
      %dma_wait3A_48 = tpu.memref_slice %arg10[%add3A_16, %dma_wait3A] : memref<10240x128xf32, #tpu.memory_space<vmem_shared>> -> memref<128x128xf32, #tpu.memory_space<vmem_shared>>
      tpu.wait_dma2 semaphore(%run_scoped3A : memref<!tpu.dma_semaphore, #tpu.memory_space<semaphore_mem>>) src(%arg5 : memref<128x128xf32, #tpu.memory_space<hbm>>) dst(%dma_wait3A_48 : memref<128x128xf32, #tpu.memory_space<vmem_shared>>)
      tpu.yield
    }) : () -> ()
    %mul3A_17 = arith.constant 640 : i32
    %mul3A_18 = arith.muli %arg1, %mul3A_17 : i32
    %add3A_19 = arith.constant 512 : i32
    %add3A_20 = arith.addi %mul3A_18, %add3A_19 : i32
    "tpu.region"() ({
      %run_scoped3A = tpu.sem_alloc : memref<!tpu.dma_semaphore, #tpu.memory_space<semaphore_mem>>
      %dma_start3A = arith.constant 0 : i32
      %dma_start3A_47 = tpu.memref_slice %arg10[%add3A_20, %dma_start3A] : memref<10240x128xf32, #tpu.memory_space<vmem_shared>> -> memref<128x128xf32, #tpu.memory_space<vmem_shared>>
      tpu.enqueue_dma source(%arg5 : memref<128x128xf32, #tpu.memory_space<hbm>>) target(%dma_start3A_47 : memref<128x128xf32, #tpu.memory_space<vmem_shared>>) target_semaphore(%run_scoped3A : memref<!tpu.dma_semaphore, #tpu.memory_space<semaphore_mem>>)
      %dma_wait3A = arith.constant 0 : i32
      %dma_wait3A_48 = tpu.memref_slice %arg10[%add3A_20, %dma_wait3A] : memref<10240x128xf32, #tpu.memory_space<vmem_shared>> -> memref<128x128xf32, #tpu.memory_space<vmem_shared>>
      tpu.wait_dma2 semaphore(%run_scoped3A : memref<!tpu.dma_semaphore, #tpu.memory_space<semaphore_mem>>) src(%arg5 : memref<128x128xf32, #tpu.memory_space<hbm>>) dst(%dma_wait3A_48 : memref<128x128xf32, #tpu.memory_space<vmem_shared>>)
      tpu.yield
    }) : () -> ()
    %barrier3A = arith.constant 0 : index
    tpu.barrier barrier_id(%barrier3A)
    %scan3A = arith.constant 0 : i32
    %scan3A_21 = arith.constant 0 : i32
    %scan3A_22 = arith.constant 79 : i32
    %scan3A_23 = arith.addi %scan3A_21, %scan3A_22 : i32
    %scan3A_24 = arith.constant 1 : i32
    scf.for %scan3A_47 = %scan3A_21 to %scan3A_23 step %scan3A_24  : i32 {
      %mul3A_48 = arith.constant 79 : i32
      %mul3A_49 = arith.muli %add3A, %mul3A_48 : i32
      %add3A_50 = arith.addi %mul3A_49, %scan3A_47 : i32
      %mul3A_51 = arith.constant 128 : i32
      %mul3A_52 = arith.muli %add3A_50, %mul3A_51 : i32
      %multiple_of3A = tpu.assume_multiple %mul3A_52, 128 : i32
      "tpu.region"() ({
        %run_scoped3A = tpu.sem_alloc : memref<!tpu.dma_semaphore, #tpu.memory_space<semaphore_mem>>
        %dma_start3A_57 = tpu.memref_slice %arg3[%multiple_of3A] : memref<323584xi32, #tpu.memory_space<hbm>> -> memref<128xi32, #tpu.memory_space<hbm>>
        %dma_start3A_58 = tpu.memref_slice %arg3[%multiple_of3A] : memref<323584xi32, #tpu.memory_space<hbm>> -> memref<128xi32, #tpu.memory_space<hbm>>
        tpu.enqueue_dma source(%dma_start3A_58 : memref<128xi32, #tpu.memory_space<hbm>>) target(%arg7 : memref<128xi32, #tpu.memory_space<vmem>>) target_semaphore(%run_scoped3A : memref<!tpu.dma_semaphore, #tpu.memory_space<semaphore_mem>>)
        %dma_wait3A_59 = tpu.memref_slice %arg3[%multiple_of3A] : memref<323584xi32, #tpu.memory_space<hbm>> -> memref<128xi32, #tpu.memory_space<hbm>>
        %dma_wait3A_60 = tpu.memref_slice %arg3[%multiple_of3A] : memref<323584xi32, #tpu.memory_space<hbm>> -> memref<128xi32, #tpu.memory_space<hbm>>
        tpu.wait_dma2 semaphore(%run_scoped3A : memref<!tpu.dma_semaphore, #tpu.memory_space<semaphore_mem>>) src(%dma_wait3A_60 : memref<128xi32, #tpu.memory_space<hbm>>) dst(%arg7 : memref<128xi32, #tpu.memory_space<vmem>>)
        tpu.yield
      }) : () -> ()
      "tpu.region"() ({
        %run_scoped3A = tpu.sem_alloc : memref<!tpu.dma_semaphore, #tpu.memory_space<semaphore_mem>>
        %dma_start3A_57 = tpu.memref_slice %arg4[%multiple_of3A] : memref<323584xi32, #tpu.memory_space<hbm>> -> memref<128xi32, #tpu.memory_space<hbm>>
        %dma_start3A_58 = tpu.memref_slice %arg4[%multiple_of3A] : memref<323584xi32, #tpu.memory_space<hbm>> -> memref<128xi32, #tpu.memory_space<hbm>>
        tpu.enqueue_dma source(%dma_start3A_58 : memref<128xi32, #tpu.memory_space<hbm>>) target(%arg8 : memref<128xi32, #tpu.memory_space<vmem>>) target_semaphore(%run_scoped3A : memref<!tpu.dma_semaphore, #tpu.memory_space<semaphore_mem>>)
        %dma_wait3A_59 = tpu.memref_slice %arg4[%multiple_of3A] : memref<323584xi32, #tpu.memory_space<hbm>> -> memref<128xi32, #tpu.memory_space<hbm>>
        %dma_wait3A_60 = tpu.memref_slice %arg4[%multiple_of3A] : memref<323584xi32, #tpu.memory_space<hbm>> -> memref<128xi32, #tpu.memory_space<hbm>>
        tpu.wait_dma2 semaphore(%run_scoped3A : memref<!tpu.dma_semaphore, #tpu.memory_space<semaphore_mem>>) src(%dma_wait3A_60 : memref<128xi32, #tpu.memory_space<hbm>>) dst(%arg8 : memref<128xi32, #tpu.memory_space<vmem>>)
        tpu.yield
      }) : () -> ()
      %dma_start3A = arith.constant 0 : i32
      %dma_start3A_53 = arith.constant 0 : i32
      %dma_start3A_54 = tpu.memref_slice %arg2[%dma_start3A, %dma_start3A_53] : memref<10240x128xf32, #tpu.memory_space<hbm>> -> memref<10240x128xf32, #tpu.memory_space<hbm>>
      tpu.enqueue_indirect_dma source(%dma_start3A_54 : memref<10240x128xf32, #tpu.memory_space<hbm>>) target(%arg9 : memref<128x128xf32, #tpu.memory_space<vmem>>) offsets(%arg7 : memref<128xi32, #tpu.memory_space<vmem>>) semaphore(%arg11 : memref<!tpu.dma_semaphore, #tpu.memory_space<semaphore_mem>>)
      %dma_wait3A = arith.constant 0 : i32
      %dma_wait3A_55 = arith.constant 0 : i32
      %dma_wait3A_56 = tpu.memref_slice %arg2[%dma_wait3A, %dma_wait3A_55] : memref<10240x128xf32, #tpu.memory_space<hbm>> -> memref<10240x128xf32, #tpu.memory_space<hbm>>
      tpu.wait_indirect_dma semaphore(%arg11 : memref<!tpu.dma_semaphore, #tpu.memory_space<semaphore_mem>>) src(%dma_wait3A_56 : memref<10240x128xf32, #tpu.memory_space<hbm>>) dst(%arg9 : memref<128x128xf32, #tpu.memory_space<vmem>>)
      "tpu.region"() ({
        %run_scoped3A = tpu.sem_alloc : memref<!tpu.dma_semaphore, #tpu.memory_space<semaphore_mem>>
        %dma_start3A_57 = arith.constant 0 : i32
        %dma_start3A_58 = arith.constant 0 : i32
        %dma_start3A_59 = tpu.memref_slice %arg10[%dma_start3A_57, %dma_start3A_58] : memref<10240x128xf32, #tpu.memory_space<vmem_shared>> -> memref<10240x128xf32, #tpu.memory_space<vmem_shared>>
        tpu.enqueue_indirect_dma source(%arg9 : memref<128x128xf32, #tpu.memory_space<vmem>>) target(%dma_start3A_59 : memref<10240x128xf32, #tpu.memory_space<vmem_shared>>) offsets(%arg8 : memref<128xi32, #tpu.memory_space<vmem>>) semaphore(%run_scoped3A : memref<!tpu.dma_semaphore, #tpu.memory_space<semaphore_mem>>) {add = true}
        %dma_wait3A_60 = arith.constant 0 : i32
        %dma_wait3A_61 = arith.constant 0 : i32
        %dma_wait3A_62 = tpu.memref_slice %arg10[%dma_wait3A_60, %dma_wait3A_61] : memref<10240x128xf32, #tpu.memory_space<vmem_shared>> -> memref<10240x128xf32, #tpu.memory_space<vmem_shared>>
        tpu.wait_indirect_dma semaphore(%run_scoped3A : memref<!tpu.dma_semaphore, #tpu.memory_space<semaphore_mem>>) src(%arg9 : memref<128x128xf32, #tpu.memory_space<vmem>>) dst(%dma_wait3A_62 : memref<10240x128xf32, #tpu.memory_space<vmem_shared>>)
        tpu.yield
      }) : () -> ()
    }
    %scan3A_25 = arith.constant 79 : i32
    %barrier3A_26 = arith.constant 0 : index
    tpu.barrier barrier_id(%barrier3A_26)
    %mul3A_27 = arith.constant 640 : i32
    %mul3A_28 = arith.muli %arg1, %mul3A_27 : i32
    %add3A_29 = arith.constant 0 : i32
    %add3A_30 = arith.addi %mul3A_28, %add3A_29 : i32
    "tpu.region"() ({
      %run_scoped3A = tpu.sem_alloc : memref<!tpu.dma_semaphore, #tpu.memory_space<semaphore_mem>>
      %dma_start3A = arith.constant 0 : i32
      %dma_start3A_47 = tpu.memref_slice %arg6[%arg0, %add3A_30, %dma_start3A] : memref<2x10240x128xf32, #tpu.memory_space<hbm>> -> memref<1x128x128xf32, #tpu.memory_space<hbm>>
      %dma_start3A_48 = tpu.memref_squeeze %dma_start3A_47 : memref<1x128x128xf32, #tpu.memory_space<hbm>> -> memref<128x128xf32, #tpu.memory_space<hbm>>
      %dma_start3A_49 = arith.constant 0 : i32
      %dma_start3A_50 = tpu.memref_slice %arg10[%add3A_30, %dma_start3A_49] : memref<10240x128xf32, #tpu.memory_space<vmem_shared>> -> memref<128x128xf32, #tpu.memory_space<vmem_shared>>
      tpu.enqueue_dma source(%dma_start3A_50 : memref<128x128xf32, #tpu.memory_space<vmem_shared>>) target(%dma_start3A_48 : memref<128x128xf32, #tpu.memory_space<hbm>>) target_semaphore(%run_scoped3A : memref<!tpu.dma_semaphore, #tpu.memory_space<semaphore_mem>>)
      %dma_wait3A = arith.constant 0 : i32
      %dma_wait3A_51 = tpu.memref_slice %arg6[%arg0, %add3A_30, %dma_wait3A] : memref<2x10240x128xf32, #tpu.memory_space<hbm>> -> memref<1x128x128xf32, #tpu.memory_space<hbm>>
      %dma_wait3A_52 = tpu.memref_squeeze %dma_wait3A_51 : memref<1x128x128xf32, #tpu.memory_space<hbm>> -> memref<128x128xf32, #tpu.memory_space<hbm>>
      %dma_wait3A_53 = arith.constant 0 : i32
      %dma_wait3A_54 = tpu.memref_slice %arg10[%add3A_30, %dma_wait3A_53] : memref<10240x128xf32, #tpu.memory_space<vmem_shared>> -> memref<128x128xf32, #tpu.memory_space<vmem_shared>>
      tpu.wait_dma2 semaphore(%run_scoped3A : memref<!tpu.dma_semaphore, #tpu.memory_space<semaphore_mem>>) src(%dma_wait3A_54 : memref<128x128xf32, #tpu.memory_space<vmem_shared>>) dst(%dma_wait3A_52 : memref<128x128xf32, #tpu.memory_space<hbm>>)
      tpu.yield
    }) : () -> ()
    %mul3A_31 = arith.constant 640 : i32
    %mul3A_32 = arith.muli %arg1, %mul3A_31 : i32
    %add3A_33 = arith.constant 128 : i32
    %add3A_34 = arith.addi %mul3A_32, %add3A_33 : i32
    "tpu.region"() ({
      %run_scoped3A = tpu.sem_alloc : memref<!tpu.dma_semaphore, #tpu.memory_space<semaphore_mem>>
      %dma_start3A = arith.constant 0 : i32
      %dma_start3A_47 = tpu.memref_slice %arg6[%arg0, %add3A_34, %dma_start3A] : memref<2x10240x128xf32, #tpu.memory_space<hbm>> -> memref<1x128x128xf32, #tpu.memory_space<hbm>>
      %dma_start3A_48 = tpu.memref_squeeze %dma_start3A_47 : memref<1x128x128xf32, #tpu.memory_space<hbm>> -> memref<128x128xf32, #tpu.memory_space<hbm>>
      %dma_start3A_49 = arith.constant 0 : i32
      %dma_start3A_50 = tpu.memref_slice %arg10[%add3A_34, %dma_start3A_49] : memref<10240x128xf32, #tpu.memory_space<vmem_shared>> -> memref<128x128xf32, #tpu.memory_space<vmem_shared>>
      tpu.enqueue_dma source(%dma_start3A_50 : memref<128x128xf32, #tpu.memory_space<vmem_shared>>) target(%dma_start3A_48 : memref<128x128xf32, #tpu.memory_space<hbm>>) target_semaphore(%run_scoped3A : memref<!tpu.dma_semaphore, #tpu.memory_space<semaphore_mem>>)
      %dma_wait3A = arith.constant 0 : i32
      %dma_wait3A_51 = tpu.memref_slice %arg6[%arg0, %add3A_34, %dma_wait3A] : memref<2x10240x128xf32, #tpu.memory_space<hbm>> -> memref<1x128x128xf32, #tpu.memory_space<hbm>>
      %dma_wait3A_52 = tpu.memref_squeeze %dma_wait3A_51 : memref<1x128x128xf32, #tpu.memory_space<hbm>> -> memref<128x128xf32, #tpu.memory_space<hbm>>
      %dma_wait3A_53 = arith.constant 0 : i32
      %dma_wait3A_54 = tpu.memref_slice %arg10[%add3A_34, %dma_wait3A_53] : memref<10240x128xf32, #tpu.memory_space<vmem_shared>> -> memref<128x128xf32, #tpu.memory_space<vmem_shared>>
      tpu.wait_dma2 semaphore(%run_scoped3A : memref<!tpu.dma_semaphore, #tpu.memory_space<semaphore_mem>>) src(%dma_wait3A_54 : memref<128x128xf32, #tpu.memory_space<vmem_shared>>) dst(%dma_wait3A_52 : memref<128x128xf32, #tpu.memory_space<hbm>>)
      tpu.yield
    }) : () -> ()
    %mul3A_35 = arith.constant 640 : i32
    %mul3A_36 = arith.muli %arg1, %mul3A_35 : i32
    %add3A_37 = arith.constant 256 : i32
    %add3A_38 = arith.addi %mul3A_36, %add3A_37 : i32
    "tpu.region"() ({
      %run_scoped3A = tpu.sem_alloc : memref<!tpu.dma_semaphore, #tpu.memory_space<semaphore_mem>>
      %dma_start3A = arith.constant 0 : i32
      %dma_start3A_47 = tpu.memref_slice %arg6[%arg0, %add3A_38, %dma_start3A] : memref<2x10240x128xf32, #tpu.memory_space<hbm>> -> memref<1x128x128xf32, #tpu.memory_space<hbm>>
      %dma_start3A_48 = tpu.memref_squeeze %dma_start3A_47 : memref<1x128x128xf32, #tpu.memory_space<hbm>> -> memref<128x128xf32, #tpu.memory_space<hbm>>
      %dma_start3A_49 = arith.constant 0 : i32
      %dma_start3A_50 = tpu.memref_slice %arg10[%add3A_38, %dma_start3A_49] : memref<10240x128xf32, #tpu.memory_space<vmem_shared>> -> memref<128x128xf32, #tpu.memory_space<vmem_shared>>
      tpu.enqueue_dma source(%dma_start3A_50 : memref<128x128xf32, #tpu.memory_space<vmem_shared>>) target(%dma_start3A_48 : memref<128x128xf32, #tpu.memory_space<hbm>>) target_semaphore(%run_scoped3A : memref<!tpu.dma_semaphore, #tpu.memory_space<semaphore_mem>>)
      %dma_wait3A = arith.constant 0 : i32
      %dma_wait3A_51 = tpu.memref_slice %arg6[%arg0, %add3A_38, %dma_wait3A] : memref<2x10240x128xf32, #tpu.memory_space<hbm>> -> memref<1x128x128xf32, #tpu.memory_space<hbm>>
      %dma_wait3A_52 = tpu.memref_squeeze %dma_wait3A_51 : memref<1x128x128xf32, #tpu.memory_space<hbm>> -> memref<128x128xf32, #tpu.memory_space<hbm>>
      %dma_wait3A_53 = arith.constant 0 : i32
      %dma_wait3A_54 = tpu.memref_slice %arg10[%add3A_38, %dma_wait3A_53] : memref<10240x128xf32, #tpu.memory_space<vmem_shared>> -> memref<128x128xf32, #tpu.memory_space<vmem_shared>>
      tpu.wait_dma2 semaphore(%run_scoped3A : memref<!tpu.dma_semaphore, #tpu.memory_space<semaphore_mem>>) src(%dma_wait3A_54 : memref<128x128xf32, #tpu.memory_space<vmem_shared>>) dst(%dma_wait3A_52 : memref<128x128xf32, #tpu.memory_space<hbm>>)
      tpu.yield
    }) : () -> ()
    %mul3A_39 = arith.constant 640 : i32
    %mul3A_40 = arith.muli %arg1, %mul3A_39 : i32
    %add3A_41 = arith.constant 384 : i32
    %add3A_42 = arith.addi %mul3A_40, %add3A_41 : i32
    "tpu.region"() ({
      %run_scoped3A = tpu.sem_alloc : memref<!tpu.dma_semaphore, #tpu.memory_space<semaphore_mem>>
      %dma_start3A = arith.constant 0 : i32
      %dma_start3A_47 = tpu.memref_slice %arg6[%arg0, %add3A_42, %dma_start3A] : memref<2x10240x128xf32, #tpu.memory_space<hbm>> -> memref<1x128x128xf32, #tpu.memory_space<hbm>>
      %dma_start3A_48 = tpu.memref_squeeze %dma_start3A_47 : memref<1x128x128xf32, #tpu.memory_space<hbm>> -> memref<128x128xf32, #tpu.memory_space<hbm>>
      %dma_start3A_49 = arith.constant 0 : i32
      %dma_start3A_50 = tpu.memref_slice %arg10[%add3A_42, %dma_start3A_49] : memref<10240x128xf32, #tpu.memory_space<vmem_shared>> -> memref<128x128xf32, #tpu.memory_space<vmem_shared>>
      tpu.enqueue_dma source(%dma_start3A_50 : memref<128x128xf32, #tpu.memory_space<vmem_shared>>) target(%dma_start3A_48 : memref<128x128xf32, #tpu.memory_space<hbm>>) target_semaphore(%run_scoped3A : memref<!tpu.dma_semaphore, #tpu.memory_space<semaphore_mem>>)
      %dma_wait3A = arith.constant 0 : i32
      %dma_wait3A_51 = tpu.memref_slice %arg6[%arg0, %add3A_42, %dma_wait3A] : memref<2x10240x128xf32, #tpu.memory_space<hbm>> -> memref<1x128x128xf32, #tpu.memory_space<hbm>>
      %dma_wait3A_52 = tpu.memref_squeeze %dma_wait3A_51 : memref<1x128x128xf32, #tpu.memory_space<hbm>> -> memref<128x128xf32, #tpu.memory_space<hbm>>
      %dma_wait3A_53 = arith.constant 0 : i32
      %dma_wait3A_54 = tpu.memref_slice %arg10[%add3A_42, %dma_wait3A_53] : memref<10240x128xf32, #tpu.memory_space<vmem_shared>> -> memref<128x128xf32, #tpu.memory_space<vmem_shared>>
      tpu.wait_dma2 semaphore(%run_scoped3A : memref<!tpu.dma_semaphore, #tpu.memory_space<semaphore_mem>>) src(%dma_wait3A_54 : memref<128x128xf32, #tpu.memory_space<vmem_shared>>) dst(%dma_wait3A_52 : memref<128x128xf32, #tpu.memory_space<hbm>>)
      tpu.yield
    }) : () -> ()
    %mul3A_43 = arith.constant 640 : i32
    %mul3A_44 = arith.muli %arg1, %mul3A_43 : i32
    %add3A_45 = arith.constant 512 : i32
    %add3A_46 = arith.addi %mul3A_44, %add3A_45 : i32
    "tpu.region"() ({
      %run_scoped3A = tpu.sem_alloc : memref<!tpu.dma_semaphore, #tpu.memory_space<semaphore_mem>>
      %dma_start3A = arith.constant 0 : i32
      %dma_start3A_47 = tpu.memref_slice %arg6[%arg0, %add3A_46, %dma_start3A] : memref<2x10240x128xf32, #tpu.memory_space<hbm>> -> memref<1x128x128xf32, #tpu.memory_space<hbm>>
      %dma_start3A_48 = tpu.memref_squeeze %dma_start3A_47 : memref<1x128x128xf32, #tpu.memory_space<hbm>> -> memref<128x128xf32, #tpu.memory_space<hbm>>
      %dma_start3A_49 = arith.constant 0 : i32
      %dma_start3A_50 = tpu.memref_slice %arg10[%add3A_46, %dma_start3A_49] : memref<10240x128xf32, #tpu.memory_space<vmem_shared>> -> memref<128x128xf32, #tpu.memory_space<vmem_shared>>
      tpu.enqueue_dma source(%dma_start3A_50 : memref<128x128xf32, #tpu.memory_space<vmem_shared>>) target(%dma_start3A_48 : memref<128x128xf32, #tpu.memory_space<hbm>>) target_semaphore(%run_scoped3A : memref<!tpu.dma_semaphore, #tpu.memory_space<semaphore_mem>>)
      %dma_wait3A = arith.constant 0 : i32
      %dma_wait3A_51 = tpu.memref_slice %arg6[%arg0, %add3A_46, %dma_wait3A] : memref<2x10240x128xf32, #tpu.memory_space<hbm>> -> memref<1x128x128xf32, #tpu.memory_space<hbm>>
      %dma_wait3A_52 = tpu.memref_squeeze %dma_wait3A_51 : memref<1x128x128xf32, #tpu.memory_space<hbm>> -> memref<128x128xf32, #tpu.memory_space<hbm>>
      %dma_wait3A_53 = arith.constant 0 : i32
      %dma_wait3A_54 = tpu.memref_slice %arg10[%add3A_46, %dma_wait3A_53] : memref<10240x128xf32, #tpu.memory_space<vmem_shared>> -> memref<128x128xf32, #tpu.memory_space<vmem_shared>>
      tpu.wait_dma2 semaphore(%run_scoped3A : memref<!tpu.dma_semaphore, #tpu.memory_space<semaphore_mem>>) src(%dma_wait3A_54 : memref<128x128xf32, #tpu.memory_space<vmem_shared>>) dst(%dma_wait3A_52 : memref<128x128xf32, #tpu.memory_space<hbm>>)
      tpu.yield
    }) : () -> ()
    return
  }
}

module attributes {stable_mosaic.version = 14 : i64} {
  func.func @_tc_pre_body(%arg0: i32, %arg1: memref<1024x128xf32, #tpu.memory_space<vmem>>, %arg2: memref<128x128xf32, #tpu.memory_space<vmem>>, %arg3: memref<128x128xf32, #tpu.memory_space<vmem>>, %arg4: memref<1x128xf32, #tpu.memory_space<vmem>>, %arg5: memref<1024x128xf32, #tpu.memory_space<vmem>>, %arg6: memref<1024x128xf32, #tpu.memory_space<vmem>>) attributes {dimension_semantics = [#tpu.dimension_semantics<arbitrary>], iteration_bounds = array<i64: 10>, scalar_prefetch = 0 : i64, scratch_operands = 0 : i64, tpu.core_type = #tpu.core_type<tc>, window_params = [{transform_indices = @transform_0, window_bounds = array<i64: 1024, 128>}, {pipeline_mode = #tpu.pipeline_mode<synchronous>, transform_indices = @transform_1, window_bounds = array<i64: 128, 128>}, {pipeline_mode = #tpu.pipeline_mode<synchronous>, transform_indices = @transform_2, window_bounds = array<i64: 128, 128>}, {pipeline_mode = #tpu.pipeline_mode<synchronous>, transform_indices = @transform_3, window_bounds = array<i64: 1, 128>}, {transform_indices = @transform_4, window_bounds = array<i64: 1024, 128>}, {transform_indices = @transform_5, window_bounds = array<i64: 1024, 128>}]} {
    %get3A = arith.constant 0 : index
    %get3A_0 = arith.constant 0 : index
    %get3A_1 = vector.load %arg1[%get3A, %get3A_0] : memref<1024x128xf32, #tpu.memory_space<vmem>>, vector<1024x128xf32>
    %get3A_2 = arith.constant 0 : index
    %get3A_3 = arith.constant 0 : index
    %get3A_4 = vector.load %arg2[%get3A_2, %get3A_3] : memref<128x128xf32, #tpu.memory_space<vmem>>, vector<128x128xf32>
    %dot_general3A = arith.constant dense<0.000000e+00> : vector<1024x128xf32>
    %dot_general3A_5 = tpu.matmul %get3A_1, %get3A_4, %dot_general3A {dimension_numbers = #tpu.dot_dimension_numbers<[1], [0], [0], [1], [0, 0, 1, 1], [], []>, precision = #tpu.contract_precision<fp32>, transpose_lhs_hint = false} : vector<1024x128xf32>, vector<128x128xf32>, vector<1024x128xf32> -> vector<1024x128xf32>
    %swap3A = arith.constant 0 : index
    %swap3A_6 = arith.constant 0 : index
    %swap3A_7 = vector.load %arg5[%swap3A, %swap3A_6] : memref<1024x128xf32, #tpu.memory_space<vmem>>, vector<1024x128xf32>
    tpu.vector_store %arg5[%swap3A, %swap3A_6], %dot_general3A_5 {strides = array<i32>} : memref<1024x128xf32, #tpu.memory_space<vmem>>, vector<1024x128xf32>,
    %get3A_8 = arith.constant 0 : index
    %get3A_9 = arith.constant 0 : index
    %get3A_10 = vector.load %arg3[%get3A_8, %get3A_9] : memref<128x128xf32, #tpu.memory_space<vmem>>, vector<128x128xf32>
    %dot_general3A_11 = arith.constant dense<0.000000e+00> : vector<1024x128xf32>
    %dot_general3A_12 = tpu.matmul %get3A_1, %get3A_10, %dot_general3A_11 {dimension_numbers = #tpu.dot_dimension_numbers<[1], [0], [0], [1], [0, 0, 1, 1], [], []>, precision = #tpu.contract_precision<fp32>, transpose_lhs_hint = false} : vector<1024x128xf32>, vector<128x128xf32>, vector<1024x128xf32> -> vector<1024x128xf32>
    %get3A_13 = arith.constant 0 : index
    %get3A_14 = arith.constant 0 : index
    %get3A_15 = vector.load %arg4[%get3A_13, %get3A_14] : memref<1x128xf32, #tpu.memory_space<vmem>>, vector<1x128xf32>
    %add3A = vector.broadcast %get3A_15 : vector<1x128xf32> to vector<1024x128xf32>
    %add3A_16 = arith.addf %dot_general3A_12, %add3A : vector<1024x128xf32>
    %swap3A_17 = arith.constant 0 : index
    %swap3A_18 = arith.constant 0 : index
    %swap3A_19 = vector.load %arg6[%swap3A_17, %swap3A_18] : memref<1024x128xf32, #tpu.memory_space<vmem>>, vector<1024x128xf32>
    tpu.vector_store %arg6[%swap3A_17, %swap3A_18], %add3A_16 {strides = array<i32>} : memref<1024x128xf32, #tpu.memory_space<vmem>>, vector<1024x128xf32>,
    return
  }
  func.func @transform_0(%arg0: i32) -> (i32, i32) {
    %c0_i32 = arith.constant 0 : i32
    %c0_i32_0 = arith.constant 0 : i32
    return %arg0, %c0_i32 : i32, i32
  }
  func.func @transform_1(%arg0: i32) -> (i32, i32) {
    %c0_i32 = arith.constant 0 : i32
    %c0_i32_0 = arith.constant 0 : i32
    %c0_i32_1 = arith.constant 0 : i32
    return %c0_i32, %c0_i32_0 : i32, i32
  }
  func.func @transform_2(%arg0: i32) -> (i32, i32) {
    %c0_i32 = arith.constant 0 : i32
    %c0_i32_0 = arith.constant 0 : i32
    %c0_i32_1 = arith.constant 0 : i32
    return %c0_i32, %c0_i32_0 : i32, i32
  }
  func.func @transform_3(%arg0: i32) -> (i32, i32) {
    %c0_i32 = arith.constant 0 : i32
    %c0_i32_0 = arith.constant 0 : i32
    %c0_i32_1 = arith.constant 0 : i32
    return %c0_i32, %c0_i32_0 : i32, i32
  }
  func.func @transform_4(%arg0: i32) -> (i32, i32) {
    %c0_i32 = arith.constant 0 : i32
    %c0_i32_0 = arith.constant 0 : i32
    return %arg0, %c0_i32 : i32, i32
  }
  func.func @transform_5(%arg0: i32) -> (i32, i32) {
    %c0_i32 = arith.constant 0 : i32
    %c0_i32_0 = arith.constant 0 : i32
    return %arg0, %c0_i32 : i32, i32
  }
}

module attributes {stable_mosaic.version = 14 : i64} {
  func.func @_tc_mid_body(%arg0: i32, %arg1: memref<2x1024x128xf32, #tpu.memory_space<vmem>>, %arg2: memref<2x1024x128xf32, #tpu.memory_space<vmem>>, %arg3: memref<1024x128xf32, #tpu.memory_space<vmem>>, %arg4: memref<128x128xf32, #tpu.memory_space<vmem>>, %arg5: memref<128x128xf32, #tpu.memory_space<vmem>>, %arg6: memref<1x128xf32, #tpu.memory_space<vmem>>, %arg7: memref<1024x128xf32, #tpu.memory_space<vmem>>, %arg8: memref<1024x128xf32, #tpu.memory_space<vmem>>) attributes {dimension_semantics = [#tpu.dimension_semantics<arbitrary>], iteration_bounds = array<i64: 10>, scalar_prefetch = 0 : i64, scratch_operands = 0 : i64, tpu.core_type = #tpu.core_type<tc>, window_params = [{transform_indices = @transform_0, window_bounds = array<i64: 2, 1024, 128>}, {transform_indices = @transform_1, window_bounds = array<i64: 2, 1024, 128>}, {transform_indices = @transform_2, window_bounds = array<i64: 1024, 128>}, {pipeline_mode = #tpu.pipeline_mode<synchronous>, transform_indices = @transform_3, window_bounds = array<i64: 128, 128>}, {pipeline_mode = #tpu.pipeline_mode<synchronous>, transform_indices = @transform_4, window_bounds = array<i64: 128, 128>}, {pipeline_mode = #tpu.pipeline_mode<synchronous>, transform_indices = @transform_5, window_bounds = array<i64: 1, 128>}, {transform_indices = @transform_6, window_bounds = array<i64: 1024, 128>}, {transform_indices = @transform_7, window_bounds = array<i64: 1024, 128>}]} {
    %get3A = arith.constant 0 : index
    %get3A_0 = arith.constant 0 : index
    %get3A_1 = arith.constant 0 : index
    %get3A_2 = vector.load %arg1[%get3A, %get3A_0, %get3A_1] : memref<2x1024x128xf32, #tpu.memory_space<vmem>>, vector<1x1024x128xf32>
    %get3A_3 = vector.shape_cast %get3A_2 : vector<1x1024x128xf32> to vector<1024x128xf32>
    %get3A_4 = arith.constant 1 : index
    %get3A_5 = arith.constant 0 : index
    %get3A_6 = arith.constant 0 : index
    %get3A_7 = vector.load %arg1[%get3A_4, %get3A_5, %get3A_6] : memref<2x1024x128xf32, #tpu.memory_space<vmem>>, vector<1x1024x128xf32>
    %get3A_8 = vector.shape_cast %get3A_7 : vector<1x1024x128xf32> to vector<1024x128xf32>
    %add3A = arith.addf %get3A_3, %get3A_8 : vector<1024x128xf32>
    %get3A_9 = arith.constant 0 : index
    %get3A_10 = arith.constant 0 : index
    %get3A_11 = arith.constant 0 : index
    %get3A_12 = vector.load %arg2[%get3A_9, %get3A_10, %get3A_11] : memref<2x1024x128xf32, #tpu.memory_space<vmem>>, vector<1x1024x128xf32>
    %get3A_13 = vector.shape_cast %get3A_12 : vector<1x1024x128xf32> to vector<1024x128xf32>
    %get3A_14 = arith.constant 1 : index
    %get3A_15 = arith.constant 0 : index
    %get3A_16 = arith.constant 0 : index
    %get3A_17 = vector.load %arg2[%get3A_14, %get3A_15, %get3A_16] : memref<2x1024x128xf32, #tpu.memory_space<vmem>>, vector<1x1024x128xf32>
    %get3A_18 = vector.shape_cast %get3A_17 : vector<1x1024x128xf32> to vector<1024x128xf32>
    %add3A_19 = arith.addf %get3A_13, %get3A_18 : vector<1024x128xf32>
    %reduce_max3A = arith.constant dense<0xFF800000> : vector<1024xf32>
    %reduce_max3A_20 = vector.multi_reduction <maximumf>, %add3A_19, %reduce_max3A [1] : vector<1024x128xf32> to vector<1024xf32>
    %broadcast_in_dim3A = vector.shape_cast %reduce_max3A_20 : vector<1024xf32> to vector<1024x1xf32>
    %max3A = arith.constant 1.000000e+00 : f32
    %max3A_21 = vector.broadcast %max3A : f32 to vector<1024x1xf32>
    %max3A_22 = arith.maximumf %broadcast_in_dim3A, %max3A_21 : vector<1024x1xf32>
    %div3A = vector.broadcast %max3A_22 : vector<1024x1xf32> to vector<1024x128xf32>
    %div3A_23 = arith.divf %add3A, %div3A : vector<1024x128xf32>
    %get3A_24 = arith.constant 0 : index
    %get3A_25 = arith.constant 0 : index
    %get3A_26 = vector.load %arg3[%get3A_24, %get3A_25] : memref<1024x128xf32, #tpu.memory_space<vmem>>, vector<1024x128xf32>
    %add3A_27 = arith.addf %div3A_23, %get3A_26 : vector<1024x128xf32>
    %max3A_28 = arith.constant 0.000000e+00 : f32
    %max3A_29 = vector.broadcast %max3A_28 : f32 to vector<1024x128xf32>
    %max3A_30 = arith.maximumf %add3A_27, %max3A_29 : vector<1024x128xf32>
    %get3A_31 = arith.constant 0 : index
    %get3A_32 = arith.constant 0 : index
    %get3A_33 = vector.load %arg4[%get3A_31, %get3A_32] : memref<128x128xf32, #tpu.memory_space<vmem>>, vector<128x128xf32>
    %dot_general3A = arith.constant dense<0.000000e+00> : vector<1024x128xf32>
    %dot_general3A_34 = tpu.matmul %max3A_30, %get3A_33, %dot_general3A {dimension_numbers = #tpu.dot_dimension_numbers<[1], [0], [0], [1], [0, 0, 1, 1], [], []>, precision = #tpu.contract_precision<fp32>, transpose_lhs_hint = false} : vector<1024x128xf32>, vector<128x128xf32>, vector<1024x128xf32> -> vector<1024x128xf32>
    %swap3A = arith.constant 0 : index
    %swap3A_35 = arith.constant 0 : index
    %swap3A_36 = vector.load %arg7[%swap3A, %swap3A_35] : memref<1024x128xf32, #tpu.memory_space<vmem>>, vector<1024x128xf32>
    tpu.vector_store %arg7[%swap3A, %swap3A_35], %dot_general3A_34 {strides = array<i32>} : memref<1024x128xf32, #tpu.memory_space<vmem>>, vector<1024x128xf32>,
    %get3A_37 = arith.constant 0 : index
    %get3A_38 = arith.constant 0 : index
    %get3A_39 = vector.load %arg5[%get3A_37, %get3A_38] : memref<128x128xf32, #tpu.memory_space<vmem>>, vector<128x128xf32>
    %dot_general3A_40 = arith.constant dense<0.000000e+00> : vector<1024x128xf32>
    %dot_general3A_41 = tpu.matmul %max3A_30, %get3A_39, %dot_general3A_40 {dimension_numbers = #tpu.dot_dimension_numbers<[1], [0], [0], [1], [0, 0, 1, 1], [], []>, precision = #tpu.contract_precision<fp32>, transpose_lhs_hint = false} : vector<1024x128xf32>, vector<128x128xf32>, vector<1024x128xf32> -> vector<1024x128xf32>
    %get3A_42 = arith.constant 0 : index
    %get3A_43 = arith.constant 0 : index
    %get3A_44 = vector.load %arg6[%get3A_42, %get3A_43] : memref<1x128xf32, #tpu.memory_space<vmem>>, vector<1x128xf32>
    %add3A_45 = vector.broadcast %get3A_44 : vector<1x128xf32> to vector<1024x128xf32>
    %add3A_46 = arith.addf %dot_general3A_41, %add3A_45 : vector<1024x128xf32>
    %swap3A_47 = arith.constant 0 : index
    %swap3A_48 = arith.constant 0 : index
    %swap3A_49 = vector.load %arg8[%swap3A_47, %swap3A_48] : memref<1024x128xf32, #tpu.memory_space<vmem>>, vector<1024x128xf32>
    tpu.vector_store %arg8[%swap3A_47, %swap3A_48], %add3A_46 {strides = array<i32>} : memref<1024x128xf32, #tpu.memory_space<vmem>>, vector<1024x128xf32>,
    return
  }
  func.func @transform_0(%arg0: i32) -> (i32, i32, i32) {
    %c0_i32 = arith.constant 0 : i32
    %c0_i32_0 = arith.constant 0 : i32
    %c0_i32_1 = arith.constant 0 : i32
    return %c0_i32, %arg0, %c0_i32_0 : i32, i32, i32
  }
  func.func @transform_1(%arg0: i32) -> (i32, i32, i32) {
    %c0_i32 = arith.constant 0 : i32
    %c0_i32_0 = arith.constant 0 : i32
    %c0_i32_1 = arith.constant 0 : i32
    return %c0_i32, %arg0, %c0_i32_0 : i32, i32, i32
  }
  func.func @transform_2(%arg0: i32) -> (i32, i32) {
    %c0_i32 = arith.constant 0 : i32
    %c0_i32_0 = arith.constant 0 : i32
    return %arg0, %c0_i32 : i32, i32
  }
  func.func @transform_3(%arg0: i32) -> (i32, i32) {
    %c0_i32 = arith.constant 0 : i32
    %c0_i32_0 = arith.constant 0 : i32
    %c0_i32_1 = arith.constant 0 : i32
    return %c0_i32, %c0_i32_0 : i32, i32
  }
  func.func @transform_4(%arg0: i32) -> (i32, i32) {
    %c0_i32 = arith.constant 0 : i32
    %c0_i32_0 = arith.constant 0 : i32
    %c0_i32_1 = arith.constant 0 : i32
    return %c0_i32, %c0_i32_0 : i32, i32
  }
  func.func @transform_5(%arg0: i32) -> (i32, i32) {
    %c0_i32 = arith.constant 0 : i32
    %c0_i32_0 = arith.constant 0 : i32
    %c0_i32_1 = arith.constant 0 : i32
    return %c0_i32, %c0_i32_0 : i32, i32
  }
  func.func @transform_6(%arg0: i32) -> (i32, i32) {
    %c0_i32 = arith.constant 0 : i32
    %c0_i32_0 = arith.constant 0 : i32
    return %arg0, %c0_i32 : i32, i32
  }
  func.func @transform_7(%arg0: i32) -> (i32, i32) {
    %c0_i32 = arith.constant 0 : i32
    %c0_i32_0 = arith.constant 0 : i32
    return %arg0, %c0_i32 : i32, i32
  }
}

module attributes {stable_mosaic.version = 14 : i64} {
  func.func @_tc_out_body(%arg0: i32, %arg1: memref<2x1024x128xf32, #tpu.memory_space<vmem>>, %arg2: memref<2x1024x128xf32, #tpu.memory_space<vmem>>, %arg3: memref<1024x128xf32, #tpu.memory_space<vmem>>, %arg4: memref<128x128xf32, #tpu.memory_space<vmem>>, %arg5: memref<1x128xf32, #tpu.memory_space<vmem>>, %arg6: memref<1024x128xf32, #tpu.memory_space<vmem>>) attributes {dimension_semantics = [#tpu.dimension_semantics<arbitrary>], iteration_bounds = array<i64: 10>, scalar_prefetch = 0 : i64, scratch_operands = 0 : i64, tpu.core_type = #tpu.core_type<tc>, window_params = [{transform_indices = @transform_0, window_bounds = array<i64: 2, 1024, 128>}, {transform_indices = @transform_1, window_bounds = array<i64: 2, 1024, 128>}, {transform_indices = @transform_2, window_bounds = array<i64: 1024, 128>}, {pipeline_mode = #tpu.pipeline_mode<synchronous>, transform_indices = @transform_3, window_bounds = array<i64: 128, 128>}, {pipeline_mode = #tpu.pipeline_mode<synchronous>, transform_indices = @transform_4, window_bounds = array<i64: 1, 128>}, {transform_indices = @transform_5, window_bounds = array<i64: 1024, 128>}]} {
    %get3A = arith.constant 0 : index
    %get3A_0 = arith.constant 0 : index
    %get3A_1 = arith.constant 0 : index
    %get3A_2 = vector.load %arg1[%get3A, %get3A_0, %get3A_1] : memref<2x1024x128xf32, #tpu.memory_space<vmem>>, vector<1x1024x128xf32>
    %get3A_3 = vector.shape_cast %get3A_2 : vector<1x1024x128xf32> to vector<1024x128xf32>
    %get3A_4 = arith.constant 1 : index
    %get3A_5 = arith.constant 0 : index
    %get3A_6 = arith.constant 0 : index
    %get3A_7 = vector.load %arg1[%get3A_4, %get3A_5, %get3A_6] : memref<2x1024x128xf32, #tpu.memory_space<vmem>>, vector<1x1024x128xf32>
    %get3A_8 = vector.shape_cast %get3A_7 : vector<1x1024x128xf32> to vector<1024x128xf32>
    %add3A = arith.addf %get3A_3, %get3A_8 : vector<1024x128xf32>
    %get3A_9 = arith.constant 0 : index
    %get3A_10 = arith.constant 0 : index
    %get3A_11 = arith.constant 0 : index
    %get3A_12 = vector.load %arg2[%get3A_9, %get3A_10, %get3A_11] : memref<2x1024x128xf32, #tpu.memory_space<vmem>>, vector<1x1024x128xf32>
    %get3A_13 = vector.shape_cast %get3A_12 : vector<1x1024x128xf32> to vector<1024x128xf32>
    %get3A_14 = arith.constant 1 : index
    %get3A_15 = arith.constant 0 : index
    %get3A_16 = arith.constant 0 : index
    %get3A_17 = vector.load %arg2[%get3A_14, %get3A_15, %get3A_16] : memref<2x1024x128xf32, #tpu.memory_space<vmem>>, vector<1x1024x128xf32>
    %get3A_18 = vector.shape_cast %get3A_17 : vector<1x1024x128xf32> to vector<1024x128xf32>
    %add3A_19 = arith.addf %get3A_13, %get3A_18 : vector<1024x128xf32>
    %reduce_max3A = arith.constant dense<0xFF800000> : vector<1024xf32>
    %reduce_max3A_20 = vector.multi_reduction <maximumf>, %add3A_19, %reduce_max3A [1] : vector<1024x128xf32> to vector<1024xf32>
    %broadcast_in_dim3A = vector.shape_cast %reduce_max3A_20 : vector<1024xf32> to vector<1024x1xf32>
    %max3A = arith.constant 1.000000e+00 : f32
    %max3A_21 = vector.broadcast %max3A : f32 to vector<1024x1xf32>
    %max3A_22 = arith.maximumf %broadcast_in_dim3A, %max3A_21 : vector<1024x1xf32>
    %div3A = vector.broadcast %max3A_22 : vector<1024x1xf32> to vector<1024x128xf32>
    %div3A_23 = arith.divf %add3A, %div3A : vector<1024x128xf32>
    %get3A_24 = arith.constant 0 : index
    %get3A_25 = arith.constant 0 : index
    %get3A_26 = vector.load %arg3[%get3A_24, %get3A_25] : memref<1024x128xf32, #tpu.memory_space<vmem>>, vector<1024x128xf32>
    %add3A_27 = arith.addf %div3A_23, %get3A_26 : vector<1024x128xf32>
    %max3A_28 = arith.constant 0.000000e+00 : f32
    %max3A_29 = vector.broadcast %max3A_28 : f32 to vector<1024x128xf32>
    %max3A_30 = arith.maximumf %add3A_27, %max3A_29 : vector<1024x128xf32>
    %get3A_31 = arith.constant 0 : index
    %get3A_32 = arith.constant 0 : index
    %get3A_33 = vector.load %arg4[%get3A_31, %get3A_32] : memref<128x128xf32, #tpu.memory_space<vmem>>, vector<128x128xf32>
    %dot_general3A = arith.constant dense<0.000000e+00> : vector<1024x128xf32>
    %dot_general3A_34 = tpu.matmul %max3A_30, %get3A_33, %dot_general3A {dimension_numbers = #tpu.dot_dimension_numbers<[1], [0], [0], [1], [0, 0, 1, 1], [], []>, precision = #tpu.contract_precision<fp32>, transpose_lhs_hint = false} : vector<1024x128xf32>, vector<128x128xf32>, vector<1024x128xf32> -> vector<1024x128xf32>
    %get3A_35 = arith.constant 0 : index
    %get3A_36 = arith.constant 0 : index
    %get3A_37 = vector.load %arg5[%get3A_35, %get3A_36] : memref<1x128xf32, #tpu.memory_space<vmem>>, vector<1x128xf32>
    %add3A_38 = vector.broadcast %get3A_37 : vector<1x128xf32> to vector<1024x128xf32>
    %add3A_39 = arith.addf %dot_general3A_34, %add3A_38 : vector<1024x128xf32>
    %swap3A = arith.constant 0 : index
    %swap3A_40 = arith.constant 0 : index
    %swap3A_41 = vector.load %arg6[%swap3A, %swap3A_40] : memref<1024x128xf32, #tpu.memory_space<vmem>>, vector<1024x128xf32>
    tpu.vector_store %arg6[%swap3A, %swap3A_40], %add3A_39 {strides = array<i32>} : memref<1024x128xf32, #tpu.memory_space<vmem>>, vector<1024x128xf32>,
    return
  }
  func.func @transform_0(%arg0: i32) -> (i32, i32, i32) {
    %c0_i32 = arith.constant 0 : i32
    %c0_i32_0 = arith.constant 0 : i32
    %c0_i32_1 = arith.constant 0 : i32
    return %c0_i32, %arg0, %c0_i32_0 : i32, i32, i32
  }
  func.func @transform_1(%arg0: i32) -> (i32, i32, i32) {
    %c0_i32 = arith.constant 0 : i32
    %c0_i32_0 = arith.constant 0 : i32
    %c0_i32_1 = arith.constant 0 : i32
    return %c0_i32, %arg0, %c0_i32_0 : i32, i32, i32
  }
  func.func @transform_2(%arg0: i32) -> (i32, i32) {
    %c0_i32 = arith.constant 0 : i32
    %c0_i32_0 = arith.constant 0 : i32
    return %arg0, %c0_i32 : i32, i32
  }
  func.func @transform_3(%arg0: i32) -> (i32, i32) {
    %c0_i32 = arith.constant 0 : i32
    %c0_i32_0 = arith.constant 0 : i32
    %c0_i32_1 = arith.constant 0 : i32
    return %c0_i32, %c0_i32_0 : i32, i32
  }
  func.func @transform_4(%arg0: i32) -> (i32, i32) {
    %c0_i32 = arith.constant 0 : i32
    %c0_i32_0 = arith.constant 0 : i32
    %c0_i32_1 = arith.constant 0 : i32
    return %c0_i32, %c0_i32_0 : i32, i32
  }
  func.func @transform_5(%arg0: i32) -> (i32, i32) {
    %c0_i32 = arith.constant 0 : i32
    %c0_i32_0 = arith.constant 0 : i32
    return %arg0, %c0_i32 : i32, i32
  }
}

</mosaic_0001>

<sc_bundles>
// kernel: kernel.10.cloned.1.call-start
scs
__scs_entry_jumppad:
0x0: {  	(pc) =	sbr.rel $0x88, $3  }
0x1: {  	(tag) =	ssettag $0x0;
	lr =	simm.s32 $0x1  }
0x2: {  	[smem:$0x3F97] =	sst lr;
	_ =	strace $0xD0000000  }
0x3: {  	_ = 	snop  }
0x4: {  	_ = 	snop  }
0x5: {  	_ = 	snop  }
0x6: {  	_ = 	snop  }
0x7: {  	_ = 	snop  }
__scs_overlays_trampoline_lowered:
0x8: {  	[smem:$0x3FA6] =	sst s0  }
0x9: {  	[smem:$0x3FA7] =	sst s1  }
0xa: {  	[smem:$0x3FA8] =	sst s2  }
0xb: {  	[smem:$0x3FA9] =	sst s3  }
0xc: {  	[smem:$0x3FAA] =	sst s4  }
0xd: {  	[smem:$0x3FAB] =	sst s5  }
0xe: {  	[smem:$0x3FAC] =	sst s6  }
0xf: {  	[smem:$0x3FAD] =	sst s7  }
0x10: {  	[smem:$0x3FAE] =	sst s8  }
0x11: {  	[smem:$0x3FAF] =	sst s9;
	s0 =	simm.s32 @!p0 $0x0  }
0x12: {  	s1 =	sld [smem:$0x3F95];
	s0 =	simm.s32 @p0 $0x1  }
0x13: {  	[smem:$0x3FB0] =	sst s0;
	s0 =	simm.s32 @!p1 $0x0  }
0x14: {  	s2 =	sld [smem:$0x3F94];
	s0 =	simm.s32 @p1 $0x1  }
0x15: {  	[smem:$0x3FB1] =	sst s0;
	s0 =	simm.s32 @!p2 $0x0  }
0x16: {  	s3 =	sld [smem:$0x3FDB];
	s0 =	simm.s32 @p2 $0x1  }
0x17: {  	s4 =	simm.s32 $0x1BF5;
	[smem:$0x3FB3] =	sst s0  }
0x18: {  	s0 =	sld [smem:$0x3F96];
	_ =	swait.ge [sflag:s4], $0x0  }
0x19: {  	s7 =	sld [smem:$0x3F97]  }
0x1a: {  	s8 =	sadd.s32 $0xFFFFE003, lr  }
0x1b: {  	s9 =	sadd.s32 $0xFFFFFEF7, lr;
	s5 =	simm.s32 $0xFFFFFFFF;
	p2 =	slt.u32 s8, $0xFFFFF086  }
0x1c: {  	p1 =	slt.u32 s9, $0xF7A;
	s5 =	simm.s32 @!p2 $0x0  }
0x1d: {  	s5 =	simm.s32 @p1 $0x1;
	p0 =	seq.s32 s7, s2  }
0x1e: {  	s7 =	smul.u32 @!p0 $0xF7A, s2;
	p2 =	seq.s32 @!p0 s5, $0x0  }
0x1f: {  	s9 =	smul.u32 $0xF7A, s1;
	s8 =	simm.s32 @!p0 $0x1BF5;
	p2 =	por !p2, p0  }
0x20: {  	[sflag:s8] =	ssyncset.s32 @!p0 $0xFFFFF086;
	s6 =	sadd.s32 @!p0 s3, s7;
	s7 =	simm.s32 @!p0 $0x108  }
0x21: {  	s3 =	sadd.s32 s3, s9;
	s6 =	sadd.s32 @!p0 $0x88, s6;
	s7 =	simm.s32 @p2 $0x1082  }
0x22: {  	[simem:s7], [sflag:s8] =	dma.local @!p0 [hbm:s6], $0xF7A  }
0x23: {  	s9 =	sor.u32 $0xD0000000, s2;
	s6 =	simm.s32 $0x108;
	_ =	swait.ge @!p0 [sflag:s8], $0x0  }
0x24: {  	s3 =	sadd.s32 $0x88, s3;
	s6 =	simm.s32 @!p1 $0x1082;
	[sflag:s4] =	ssyncset.s32 $0xFFFFF086  }
0x25: {  	[simem:s6], [sflag:s4] =	dma.local [hbm:s3], $0xF7A  }
0x26: {  	[smem:$0x3F97] =	sst s1;
	(tag) =	ssettag s2;
	_ =	strace s9  }
0x27: {  	s1 =	sld [smem:$0x3FA7]  }
0x28: {  	s2 =	sld [smem:$0x3FA8]  }
0x29: {  	s4 =	sld [smem:$0x3FAA]  }
0x2a: {  	p0 =	seq.s32 s5, $0x0;
	s5 =	sld [smem:$0x3FAB]  }
0x2b: {  	s6 =	sld [smem:$0x3FAC]  }
0x2c: {  	s7 =	sld [smem:$0x3FAD]  }
0x2d: {  	s3 =	simm.s32 $0x108;
	s8 =	sld [smem:$0x3FAE]  }
0x2e: {  	s3 =	simm.s32 @!p0 $0x1082;
	s9 =	sld [smem:$0x3FAF]  }
0x2f: {  	lr =	sadd.s32 s0, s3;
	s0 =	sld [smem:$0x3FA6]  }
0x30: {  	s3 =	sld [smem:$0x3FA9]  }
0x31: {  	[smem:$0x3FB2] =	sst s10  }
0x32: {  	s10 =	sld [smem:$0x3FB0];
	_ =	sdelay $0x3  }
0x33: {  	p0 =	seq.s32 s10, $0x1;
	s10 =	sld [smem:$0x3FB2];
	_ =	sdelay $0x3  }
0x34: {  	[smem:$0x3FB2] =	sst s10  }
0x35: {  	s10 =	sld [smem:$0x3FB1];
	_ =	sdelay $0x3  }
0x36: {  	p1 =	seq.s32 s10, $0x1;
	s10 =	sld [smem:$0x3FB2];
	_ =	sdelay $0x3  }
0x37: {  	[smem:$0x3FB2] =	sst s10  }
0x38: {  	s10 =	sld [smem:$0x3FB3]  }
0x39: {  	_ = 	snop;
	(pc) =	sbr.ind lr, $3  }
0x3a: {  	_ = 	snop  }
0x3b: {  	_ = 	snop  }
0x3c: {  	p2 =	seq.s32 s10, $0x1;
	s10 =	sld [smem:$0x3FB2]  }
0x3d: {  	_ =	shalt  }
0x3e: {  	_ =	shalt  }
0x3f: {  	_ =	shalt  }
0x40: {  	_ =	shalt  }
0x41: {  	_ =	shalt  }
0x42: {  	_ =	shalt  }
0x43: {  	_ =	shalt  }
0x44: {  	_ =	shalt  }
0x45: {  	_ =	shalt  }
0x46: {  	_ =	shalt  }
0x47: {  	_ =	shalt  }
0x48: {  	_ =	shalt  }
0x49: {  	_ =	shalt  }
0x4a: {  	_ =	shalt  }
0x4b: {  	_ =	shalt  }
0x4c: {  	_ =	shalt  }
0x4d: {  	_ =	shalt  }
0x4e: {  	_ =	shalt  }
0x4f: {  	_ =	shalt  }
0x50: {  	_ =	shalt  }
0x51: {  	_ =	shalt  }
0x52: {  	_ =	shalt  }
0x53: {  	_ =	shalt  }
0x54: {  	_ =	shalt  }
0x55: {  	_ =	shalt  }
0x56: {  	_ =	shalt  }
0x57: {  	_ =	shalt  }
0x58: {  	_ =	shalt  }
0x59: {  	_ =	shalt  }
0x5a: {  	_ =	shalt  }
0x5b: {  	_ =	shalt  }
0x5c: {  	_ =	shalt  }
0x5d: {  	_ =	shalt  }
0x5e: {  	_ =	shalt  }
0x5f: {  	_ =	shalt  }
0x60: {  	_ =	shalt  }
0x61: {  	_ =	shalt  }
0x62: {  	_ =	shalt  }
0x63: {  	_ =	shalt  }
0x64: {  	_ =	shalt  }
0x65: {  	_ =	shalt  }
0x66: {  	_ =	shalt  }
0x67: {  	_ =	shalt  }
0x68: {  	_ =	shalt  }
0x69: {  	_ =	shalt  }
0x6a: {  	_ =	shalt  }
0x6b: {  	_ =	shalt  }
0x6c: {  	_ =	shalt  }
0x6d: {  	_ =	shalt  }
0x6e: {  	_ =	shalt  }
0x6f: {  	_ =	shalt  }
0x70: {  	_ =	shalt  }
0x71: {  	_ =	shalt  }
0x72: {  	_ =	shalt  }
0x73: {  	_ =	shalt  }
0x74: {  	_ =	shalt  }
0x75: {  	_ =	shalt  }
0x76: {  	_ =	shalt  }
0x77: {  	_ =	shalt  }
0x78: {  	_ =	shalt  }
0x79: {  	_ =	shalt  }
0x7a: {  	_ =	shalt  }
0x7b: {  	_ =	shalt  }
0x7c: {  	_ =	shalt  }
0x7d: {  	_ =	shalt  }
0x7e: {  	_ =	shalt  }
0x7f: {  	_ =	shalt  }
0x80: {  	_ =	shalt  }
0x81: {  	_ =	shalt  }
0x82: {  	_ =	shalt  }
0x83: {  	_ =	shalt  }
0x84: {  	_ =	shalt  }
0x85: {  	_ =	shalt  }
0x86: {  	_ =	shalt  }
0x87: {  	_ =	shalt  }
.Lfunc_end0:
.L_simem_size_0:
called_computation.1_lowered:
.L_overlay_start_0:
0x88: {  	s2 =	sld [smem:$0x3FD9]  }
0x89: {  	s3 =	sld [smem:$0x3FFE];
	_ =	sdelay $0x1  }
0x8a: {  	s1 =	srdreg.scid  }
0x8b: {  	s0 =	sand.u32 $0x1, s1  }
0x8c: {  	s17 =	sshll.u32 s0, $0xA;
	s2 =	sadd.s32 s3, s2  }
0x8d: {  	s2 =	sadd.s32 s2, s17  }
0x8e: {  	[smem:$0x3FBE] =	sst s2  }
0x8f: {  	_ = 	snop  }
0x90: {  	s2 =	sld [smem:$0x3FD0];
	(tm) =	ssettm $0x1  }
0x91: {  	s18 =	sld [smem:$0x3FFB];
	_ =	sdelay $0x3  }
0x92: {  	_ =	strace s18  }
0x93: {  	s3 =	sld [smem:$0x3FFC];
	_ =	sdelay $0x3  }
0x94: {  	_ =	strace s3  }
0x95: {  	s3 =	sld [smem:$0x3FFD];
	_ =	sdelay $0x3  }
0x96: {  	_ =	strace s3  }
0x97: {  	_ =	strace $0x8FFFFFFF  }
0x98: {  	s19 =	sld [smem:$0x3FDB];
	_ =	sdelay $0x1  }
0x99: {  	s4 =	simm.s32 $_scs_section_size  }
0x9a: {  	s5 =	simm.s32 $_size__tile_overlayer_lowered;
	s6 =	simm.s32 $_tile_overlayer_lowered  }
0x9b: {  	s22 =	simm.s32 $0x1BFF;
	s21 =	sshll.u32 s6, $0x1;
	s3 =	sadd.s32 s4, s19  }
0x9c: {  	s7 =	simm.s32 $0x0;
	s20 =	sshll.u32 s5, $0x1;
	s5 =	sadd.s32 s21, s3  }
0x9d: {  	[timem:s7], [sflag:s22] =	dma.local [hbm:s5], s20  }
0x9e: {  	_ =	swait.ge [sflag:s22], s20  }
0x9f: {  	s4 =	ssub.s32 $0x0, s20;
	[sflag:s22] =	ssyncset.done $0x0  }
0xa0: {  	[sflag:s22] =	ssyncadd.s32 s4;
	_ =	sdelay $0x1  }
0xa1: {  	s23 =	simm.s32 $0x1B8B  }
0xa2: {  	_ =	swait.ge [sflag:s23], $0x1  }
0xa3: {  	[sflag:s23] =	ssyncset.done $0x0  }
0xa4: {  	s25 =	simm.s32 $0x1B8E;
	s24 =	sld [smem:$0x3FFE];
	[sflag:s23] =	ssyncadd.s32 $0xFFFFFFFF  }
0xa5: {  	s26 =	simm.s32 $execute0_lowered;
	[smem:$0x3FD2] =	sst s25  }
0xa6: {  	s5 =	sshll.u32 s26, $0x1;
	_ =	strace $0x80000049;
	[dreg:$0x1] =	wrdreg $0xFFFFFFFF  }
0xa7: {  	s28 =	simm.s32 $_size_execute0_lowered;
	s3 =	sadd.s32 s3, s5;
	[dreg:$0x0] =	wrdreg $0x0  }
0xa8: {  	s5 =	sshll.u32 s28, $0x1;
	[dreg:$0x2] =	wrdreg s3  }
0xa9: {  	[dreg:$0x3] =	wrdreg s5  }
0xaa: {  	[dreg:$0x4] =	wrdreg $0xC0  }
0xab: {  	_ =	task [dreg:s7], $0x5FFFF  }
0xac: {  	[dreg:$0x1] =	wrdreg $0xFFFFFFFF  }
0xad: {  	[dreg:$0x0] =	wrdreg $0x60  }
0xae: {  	[dreg:$0x2] =	wrdreg s24  }
0xaf: {  	[dreg:$0x3] =	wrdreg s2  }
0xb0: {  	[dreg:$0x4] =	wrdreg $0x41000  }
0xb1: {  	[dreg:$0x5] =	wrdreg $0x9  }
0xb2: {  	_ =	task.clear_ibuf [dreg:s7], $0x6FFFF;
	_ =	strace $0x90000049  }
0xb3: {  	s29 =	simm.s32 $0x9;
	_ =	strace $0x8000004B  }
0xb4: {  	_ =	swait.ge [sflag:s29], $0x1  }
0xb5: {  	[sflag:s29] =	ssyncadd.s32 $0xFFFFFFFF  }
0xb6: {  	_ =	strace $0x9000004B  }
0xb7: {  	_ =	sfence  }
0xb8: {  	s30 =	sld [smem:$0x0];
	_ =	sdelay $0x2  }
0xb9: {  	s31 =	sshll.u32 s1, $0xD;
	s1 =	sshrl.u32 s1, $0x2  }
0xba: {  	s3 =	sand.u32 $0x4000, s31;
	s1 =	sadd.s32 s1, s30  }
0xbb: {  	s0 =	sor.u32 s3, s0;
	s1 =	sshll.u32 s1, $0x11  }
0xbc: {  	s0 =	sor.u32 s1, s0  }
0xbd: {  	s0 =	sadd.s32 $0x8F2B, s0  }
0xbe: {  	[sflag:s0] =	ssyncadd.remote.s32 $0x1  }
0xbf: {  	_ =	sfence.sel $0xFFFF  }
0xc0: {  	[dreg:$0x0] =	wrdreg $0xFFFFFFFF;
	(pc) =	sbr.abs _section_cstart, $3  }
0xc1: {  	[dreg:$0x1] =	wrdreg $0xFFFFFFFF  }
0xc2: {  	_ =	task.clear_ibuf [dreg:s7], $0x2FFFF;
	_ =	strace $0x9FFFFFFF  }
0xc3: {  	(tm) =	ssettm $0x7FFFFFFF  }
tec
execute0_lowered:
.L_overlay_start_1:
0x0: {  	(tag) =	ssettag $0x1  }
0x1: {  	s0 =	rddreg [dreg:$0x0]  }
0x2: {  	s19 =	rddreg [dreg:$0x1]  }
0x3: {  	s2 =	rddreg [dreg:$0x2];
	s1 =	stileid.u32  }
0x4: {  	s3 =	simm.s32 $0x0;
	s4 =	srdreg.scid;
	s20 =	smul.u32 $0x9E0, s1  }
0x5: {  	[smem:$0x7FF] =	sst s3;
	s7 =	smul.u32 $0x50000, s1  }
0x6: {  	s14 =	sand.u32 $0x1, s4;
	s4 =	sadd.s32 $0xBE00, s0;
	s12 =	smul.u32 $0x14000, s1  }
0x7: {  	s5 =	sadd.s32 $0x33E00, s0;
	s23 =	sshll.u32 s1, $0x6;
	s21 =	smul.u32 $0x140000, s14  }
0x8: {  	_ =	strace $0x8000004A;
	s6 =	ssub.s32 $0x2, s14;
	s26 =	smul.u32 $0x4F0, s14  }
0x9: {  	s17 =	sadd.s32 s20, s0;
	s8 =	sshrl.u32 s6, $0x1;
	s0 =	sadd.s32 $0x34600, s0  }
0xa: {  	s22 =	sshrl.u32 s7, $0x2;
	s13 =	sadd.s32 $0x4000, s12;
	s7 =	sor.u32 $0x1C02, s23  }
0xb: {  	s15 =	sadd.s32 $0x8000, s12;
	s16 =	sadd.s32 $0xC000, s12;
	s31 =	sadd.s32 s20, s19  }
0xc: {  	s20 =	simm.s32 $0x2;
	s23 =	simm.s32 $0x1;
	s18 =	ssub.s32 s6, s8  }
0xd: {  	s24 =	sadd.s32 s22, s2;
	s25 =	sadd.s32 s13, s2;
	s9 =	sadd.s32 s15, s2  }
0xe: {  	s10 =	sadd.s32 s16, s2;
	s22 =	sadd.s32 $0x10000, s12;
	s12 =	sadd.s32 s12, s21  }
0xf: {  	s13 =	sadd.s32 s21, s13;
	s15 =	sadd.s32 s21, s15;
	s16 =	sadd.s32 s21, s16  }
0x10: {  	s30 =	sadd.s32 s26, s17;
	s19 =	sadd.s32 s26, s31;
	[dreg:$0x4] =	wrdreg s24  }
0x11: {  	[dreg:$0x5] =	wrdreg s25;
	s11 =	sadd.s32 s22, s2;
	s12 =	sshrl.u32 s12, $0x3  }
0x12: {  	s13 =	sshrl.u32 s13, $0x3;
	s15 =	sshrl.u32 s15, $0x3;
	s21 =	sadd.s32 s21, s22  }
0x13: {  	s28 =	sshrl.u32 s16, $0x3;
	s17 =	smax.u32 s18, $0x1;
	s18 =	sadd.s32 $0x2000, s30  }
0x14: {  	s22 =	simm.s32 $0x100;
	s24 =	simm.s32 $0x0;
	s12 =	sadd.s32 s0, s12  }
0x15: {  	s13 =	sadd.s32 s0, s13;
	s14 =	sadd.s32 s0, s15;
	s29 =	sshrl.u32 s21, $0x3  }
0x16: {  	s15 =	sadd.s32 s0, s28;
	s21 =	simm.s32 $0x80;
	s16 =	sadd.s32 s0, s29  }
.LBB2_1:
0x17: {  	s0 =	rddreg [dreg:$0x4]  }
0x18: {  	s25 =	sshrl.u32 s0, $0x3  }
0x19: {  	[spmem:s25], [sflag:s7] =	dma.local [hbm:s5], $0x800  }
0x1a: {  	_ =	swait.ge [sflag:s20], $0x800  }
0x1b: {  	[sflag:s20] =	ssyncset.done $0x0;
	s1 =	rddreg [dreg:$0x5]  }
0x1c: {  	[sflag:s20] =	ssyncadd.s32 $0xFFFFF800;
	s26 =	sshrl.u32 s1, $0x3  }
0x1d: {  	[spmem:s26], [sflag:s7] =	dma.local [hbm:s5], $0x800  }
0x1e: {  	_ =	swait.ge [sflag:s20], $0x800  }
0x1f: {  	[sflag:s20] =	ssyncset.done $0x0  }
0x20: {  	s28 =	sshrl.u32 s9, $0x3;
	[sflag:s20] =	ssyncadd.s32 $0xFFFFF800  }
0x21: {  	[spmem:s28], [sflag:s7] =	dma.local [hbm:s5], $0x800  }
0x22: {  	_ =	swait.ge [sflag:s20], $0x800  }
0x23: {  	[sflag:s20] =	ssyncset.done $0x0  }
0x24: {  	s29 =	sshrl.u32 s10, $0x3;
	[sflag:s20] =	ssyncadd.s32 $0xFFFFF800  }
0x25: {  	[spmem:s29], [sflag:s7] =	dma.local [hbm:s5], $0x800  }
0x26: {  	_ =	swait.ge [sflag:s20], $0x800  }
0x27: {  	[sflag:s20] =	ssyncset.done $0x0  }
0x28: {  	s30 =	sshrl.u32 s11, $0x3;
	[sflag:s20] =	ssyncadd.s32 $0xFFFFF800  }
0x29: {  	[spmem:s30], [sflag:s7] =	dma.local [hbm:s5], $0x800  }
0x2a: {  	_ =	swait.ge [sflag:s20], $0x800  }
0x2b: {  	[sflag:s20] =	ssyncset.done $0x0  }
0x2c: {  	[sflag:s20] =	ssyncadd.s32 $0xFFFFF800  }
0x2d: {  	s6 =	sadd.s32 $0x0, s19;
	[bflag:$0x0] =	sbarrier.arrive $0xFFFF  }
0x2e: {  	[tilespmem:s3], [sflag:$0x2] =	stream.linear.gather [hbm4b:s6+s3], $0x80, $0x38;
	[tilespmem:$0x18100] =	vst v63  }
0x2f: {  	_ =	swait.ge [sflag:s20], $0x80  }
0x30: {  	[sflag:s20] =	ssyncset.done $0x0  }
0x31: {  	s8 =	sadd.s32 $0x0, s18;
	[sflag:s20] =	ssyncadd.s32 $0xFFFFFF80  }
0x32: {  	[tilespmem:s21], [sflag:$0x2] =	stream.linear.gather [hbm4b:s8+s3], $0x80, $0x38;
	[tilespmem:$0x18100] =	vst v63  }
0x33: {  	_ =	swait.ge [sflag:s20], $0x80  }
0x34: {  	[sflag:s20] =	ssyncset.done $0x0  }
0x35: {  	[sflag:s20] =	ssyncadd.s32 $0xFFFFFF80  }
0x36: {  	[tilespmem:s22], [sflag:$0x1] =	stream.indirect.gather [hbm4b:s4+s21], $0x80, s3, s21, $0xb8;
	[tilespmem:$0x18100] =	vst v63  }
0x37: {  	_ =	swait.ge [sflag:s23], $0x4000  }
0x38: {  	[sflag:s23] =	ssyncset.done $0x0  }
0x39: {  	[sflag:s23] =	ssyncadd.s32 $0xFFFFC000  }
0x3a: {  	[spmem:s2] =	stream.indirect.scatter.add.f32 [tilespmem:s22], [sflag:$0x2], $0x80, s21, s21, $0xb8;
	[tilespmem:$0x18100] =	vst v63  }
0x3b: {  	_ =	swait.ge [sflag:s20], $0x4000  }
0x3c: {  	s31 =	simm.s32 $0x10;
	s0 =	simm.s32 $0x20;
	[sflag:s20] =	ssyncset.done $0x0  }
.LBB2_2:
0x3d: {  	s1 =	sadd.s32 s31, s19  }
0x3e: {  	[sflag:s20] =	ssyncadd.s32 $0xFFFFC000;
	s6 =	smov.u32 s0;
	s8 =	sadd.s32 $0x10, s0  }
0x3f: {  	[tilespmem:s3], [sflag:$0x2] =	stream.linear.gather [hbm4b:s1+s3], $0x80, $0x38;
	[tilespmem:$0x18100] =	vst v63  }
0x40: {  	p0 =	sne.s32 s0, $0x4E0;
	_ =	swait.ge [sflag:s20], $0x80  }
0x41: {  	[sflag:s20] =	ssyncset.done $0x0  }
0x42: {  	s0 =	sadd.s32 s31, s18;
	s31 =	smov.u32 s6;
	[sflag:s20] =	ssyncadd.s32 $0xFFFFFF80  }
0x43: {  	[tilespmem:s21], [sflag:$0x2] =	stream.linear.gather [hbm4b:s0+s3], $0x80, $0x38;
	[tilespmem:$0x18100] =	vst v63  }
0x44: {  	_ =	swait.ge [sflag:s20], $0x80  }
0x45: {  	[sflag:s20] =	ssyncset.done $0x0  }
0x46: {  	[sflag:s20] =	ssyncadd.s32 $0xFFFFFF80  }
0x47: {  	[tilespmem:s22], [sflag:$0x1] =	stream.indirect.gather [hbm4b:s4+s21], $0x80, s3, s21, $0xb8;
	[tilespmem:$0x18100] =	vst v63  }
0x48: {  	_ =	swait.ge [sflag:s23], $0x4000  }
.Ltmp0:
0x49: {  	[sflag:s23] =	ssyncset.done $0x0;
	(pc) =	sbr.rel @p0 .LBB2_2-.Ltmp0, $4  }
0x4a: {  	[sflag:s23] =	ssyncadd.s32 $0xFFFFC000  }
0x4b: {  	[spmem:s2] =	stream.indirect.scatter.add.f32 [tilespmem:s22], [sflag:$0x2], $0x80, s21, s21, $0xb8;
	[tilespmem:$0x18100] =	vst v63  }
0x4c: {  	_ =	swait.ge [sflag:s20], $0x4000  }
0x4d: {  	s0 =	smov.u32 s8;
	[sflag:s20] =	ssyncset.done $0x0  }
0x4e: {  	s0 =	sadd.s32 s31, s19;
	[sflag:s20] =	ssyncadd.s32 $0xFFFFC000  }
0x4f: {  	[tilespmem:s3], [sflag:$0x2] =	stream.linear.gather [hbm4b:s0+s3], $0x80, $0x38;
	[tilespmem:$0x18100] =	vst v63  }
0x50: {  	_ =	swait.ge [sflag:s20], $0x80  }
0x51: {  	[sflag:s20] =	ssyncset.done $0x0  }
0x52: {  	s31 =	sadd.s32 s31, s18;
	[sflag:s20] =	ssyncadd.s32 $0xFFFFFF80  }
0x53: {  	[tilespmem:s21], [sflag:$0x2] =	stream.linear.gather [hbm4b:s31+s3], $0x80, $0x38;
	[tilespmem:$0x18100] =	vst v63  }
0x54: {  	_ =	swait.ge [sflag:s20], $0x80  }
0x55: {  	[sflag:s20] =	ssyncset.done $0x0  }
0x56: {  	[sflag:s20] =	ssyncadd.s32 $0xFFFFFF80  }
0x57: {  	[tilespmem:s22], [sflag:$0x1] =	stream.indirect.gather [hbm4b:s4+s21], $0x80, s3, s21, $0xb8;
	[tilespmem:$0x18100] =	vst v63  }
0x58: {  	_ =	swait.ge [sflag:s23], $0x4000  }
0x59: {  	[sflag:s23] =	ssyncset.done $0x0  }
0x5a: {  	[sflag:s23] =	ssyncadd.s32 $0xFFFFC000  }
0x5b: {  	[spmem:s2] =	stream.indirect.scatter.add.f32 [tilespmem:s22], [sflag:$0x2], $0x80, s21, s21, $0xb8;
	[tilespmem:$0x18100] =	vst v63  }
0x5c: {  	_ =	swait.ge [sflag:s20], $0x4000  }
0x5d: {  	[sflag:s20] =	ssyncset.done $0x0  }
0x5e: {  	[sflag:s20] =	ssyncadd.s32 $0xFFFFC000  }
0x5f: {  	[bflag:$0x0] =	sbarrier.arrive $0xFFFF  }
0x60: {  	[hbm:s12], [sflag:s7] =	dma.local [spmem:s25], $0x800  }
0x61: {  	_ =	swait.ge [sflag:s20], $0x800  }
0x62: {  	[sflag:s20] =	ssyncset.done $0x0  }
0x63: {  	[sflag:s20] =	ssyncadd.s32 $0xFFFFF800  }
0x64: {  	[hbm:s13], [sflag:s7] =	dma.local [spmem:s26], $0x800  }
0x65: {  	_ =	swait.ge [sflag:s20], $0x800  }
0x66: {  	[sflag:s20] =	ssyncset.done $0x0  }
0x67: {  	[sflag:s20] =	ssyncadd.s32 $0xFFFFF800  }
0x68: {  	[hbm:s14], [sflag:s7] =	dma.local [spmem:s28], $0x800  }
0x69: {  	_ =	swait.ge [sflag:s20], $0x800  }
0x6a: {  	[sflag:s20] =	ssyncset.done $0x0  }
0x6b: {  	[sflag:s20] =	ssyncadd.s32 $0xFFFFF800  }
0x6c: {  	[hbm:s15], [sflag:s7] =	dma.local [spmem:s29], $0x800  }
0x6d: {  	s24 =	sadd.s32 $0x1, s24;
	_ =	swait.ge [sflag:s20], $0x800  }
0x6e: {  	p0 =	sne.s32 s24, s17;
	[sflag:s20] =	ssyncset.done $0x0  }
.Ltmp1:
0x6f: {  	[sflag:s20] =	ssyncadd.s32 $0xFFFFF800;
	(pc) =	sbr.rel @p0 .LBB2_1-.Ltmp1, $4  }
0x70: {  	[hbm:s16], [sflag:s7] =	dma.local [spmem:s30], $0x800  }
0x71: {  	_ =	swait.ge [sflag:s20], $0x800  }
0x72: {  	[sflag:s20] =	ssyncset.done $0x0  }
0x73: {  	[sflag:s20] =	ssyncadd.s32 $0xFFFFF800  }
0x74: {  	_ =	sfence.sel $0x180000  }
0x75: {  	[bflag:$0x0] =	sbarrier.arrive $0xFFFF  }
0x76: {  	_ =	strace $0x9000004A  }
0x77: {  	s0 =	stileid.u32;
	[bflag:$0x2] =	sbarrier.arrive $0xFFFF  }
0x78: {  	p0 =	sne.s32 s0, $0x0;
	s0 =	rddreg [dreg:$0x3]  }
0x79: {  	s0 =	sadd.s32 @!p0 $0x100000, s0  }
0x7a: {  	[sflag:s0] =	ssyncadd.tile.s32 @!p0 $0x1;
	_ =	shalt  }
.Lfunc_end2:
_tile_overlayer_lowered:
.L_overlay_start_2:
0x7b: {  	(tag) =	ssettag $0x2  }
0x7c: {  	s0 =	rddreg [dreg:$0x0];
	s2 =	stileid.u32  }
0x7d: {  	s1 =	rddreg [dreg:$0x1];
	p0 =	sne.s32 s2, $0x0  }
0x7e: {  	s3 =	rddreg [dreg:$0x2];
	[bflag:$0x3] =	sbarrier.arrive $0xFFFF;
	s2 =	simm.s32 @!p0 $0x1C02  }
0x7f: {  	[timem:s3], [sflag:s2] =	dma.local @!p0 [hbm:s0], s1  }
0x80: {  	s0 =	simm.s32 @!p0 $0x2  }
0x81: {  	_ =	swait.ge @!p0 [sflag:s0], s1  }
0x82: {  	s1 =	ssub.s32 @!p0 $0x0, s1;
	[sflag:s0] =	ssyncset.done @!p0 $0x0  }
0x83: {  	[sflag:s0] =	ssyncadd.s32 @!p0 s1  }
0x84: {  	[bflag:$0x3] =	sbarrier.arrive $0xFFFF  }
0x85: {  	_ =	shalt  }

// kernel: kernel.7.cloned.1.call-start
scs
__scs_entry_jumppad:
0x0: {  	(pc) =	sbr.rel $0x88, $3  }
0x1: {  	(tag) =	ssettag $0x0;
	lr =	simm.s32 $0x1  }
0x2: {  	[smem:$0x3F97] =	sst lr;
	_ =	strace $0xD0000000  }
0x3: {  	_ = 	snop  }
0x4: {  	_ = 	snop  }
0x5: {  	_ = 	snop  }
0x6: {  	_ = 	snop  }
0x7: {  	_ = 	snop  }
__scs_overlays_trampoline_lowered:
0x8: {  	[smem:$0x3FA6] =	sst s0  }
0x9: {  	[smem:$0x3FA7] =	sst s1  }
0xa: {  	[smem:$0x3FA8] =	sst s2  }
0xb: {  	[smem:$0x3FA9] =	sst s3  }
0xc: {  	[smem:$0x3FAA] =	sst s4  }
0xd: {  	[smem:$0x3FAB] =	sst s5  }
0xe: {  	[smem:$0x3FAC] =	sst s6  }
0xf: {  	[smem:$0x3FAD] =	sst s7  }
0x10: {  	[smem:$0x3FAE] =	sst s8  }
0x11: {  	[smem:$0x3FAF] =	sst s9;
	s0 =	simm.s32 @!p0 $0x0  }
0x12: {  	s1 =	sld [smem:$0x3F95];
	s0 =	simm.s32 @p0 $0x1  }
0x13: {  	[smem:$0x3FB0] =	sst s0;
	s0 =	simm.s32 @!p1 $0x0  }
0x14: {  	s2 =	sld [smem:$0x3F94];
	s0 =	simm.s32 @p1 $0x1  }
0x15: {  	[smem:$0x3FB1] =	sst s0;
	s0 =	simm.s32 @!p2 $0x0  }
0x16: {  	s3 =	sld [smem:$0x3FDB];
	s0 =	simm.s32 @p2 $0x1  }
0x17: {  	s4 =	simm.s32 $0x1BF5;
	[smem:$0x3FB3] =	sst s0  }
0x18: {  	s0 =	sld [smem:$0x3F96];
	_ =	swait.ge [sflag:s4], $0x0  }
0x19: {  	s7 =	sld [smem:$0x3F97]  }
0x1a: {  	s8 =	sadd.s32 $0xFFFFE003, lr  }
0x1b: {  	s9 =	sadd.s32 $0xFFFFFEF7, lr;
	s5 =	simm.s32 $0xFFFFFFFF;
	p2 =	slt.u32 s8, $0xFFFFF086  }
0x1c: {  	p1 =	slt.u32 s9, $0xF7A;
	s5 =	simm.s32 @!p2 $0x0  }
0x1d: {  	s5 =	simm.s32 @p1 $0x1;
	p0 =	seq.s32 s7, s2  }
0x1e: {  	s7 =	smul.u32 @!p0 $0xF7A, s2;
	p2 =	seq.s32 @!p0 s5, $0x0  }
0x1f: {  	s9 =	smul.u32 $0xF7A, s1;
	s8 =	simm.s32 @!p0 $0x1BF5;
	p2 =	por !p2, p0  }
0x20: {  	[sflag:s8] =	ssyncset.s32 @!p0 $0xFFFFF086;
	s6 =	sadd.s32 @!p0 s3, s7;
	s7 =	simm.s32 @!p0 $0x108  }
0x21: {  	s3 =	sadd.s32 s3, s9;
	s6 =	sadd.s32 @!p0 $0x88, s6;
	s7 =	simm.s32 @p2 $0x1082  }
0x22: {  	[simem:s7], [sflag:s8] =	dma.local @!p0 [hbm:s6], $0xF7A  }
0x23: {  	s9 =	sor.u32 $0xD0000000, s2;
	s6 =	simm.s32 $0x108;
	_ =	swait.ge @!p0 [sflag:s8], $0x0  }
0x24: {  	s3 =	sadd.s32 $0x88, s3;
	s6 =	simm.s32 @!p1 $0x1082;
	[sflag:s4] =	ssyncset.s32 $0xFFFFF086  }
0x25: {  	[simem:s6], [sflag:s4] =	dma.local [hbm:s3], $0xF7A  }
0x26: {  	[smem:$0x3F97] =	sst s1;
	(tag) =	ssettag s2;
	_ =	strace s9  }
0x27: {  	s1 =	sld [smem:$0x3FA7]  }
0x28: {  	s2 =	sld [smem:$0x3FA8]  }
0x29: {  	s4 =	sld [smem:$0x3FAA]  }
0x2a: {  	p0 =	seq.s32 s5, $0x0;
	s5 =	sld [smem:$0x3FAB]  }
0x2b: {  	s6 =	sld [smem:$0x3FAC]  }
0x2c: {  	s7 =	sld [smem:$0x3FAD]  }
0x2d: {  	s3 =	simm.s32 $0x108;
	s8 =	sld [smem:$0x3FAE]  }
0x2e: {  	s3 =	simm.s32 @!p0 $0x1082;
	s9 =	sld [smem:$0x3FAF]  }
0x2f: {  	lr =	sadd.s32 s0, s3;
	s0 =	sld [smem:$0x3FA6]  }
0x30: {  	s3 =	sld [smem:$0x3FA9]  }
0x31: {  	[smem:$0x3FB2] =	sst s10  }
0x32: {  	s10 =	sld [smem:$0x3FB0];
	_ =	sdelay $0x3  }
0x33: {  	p0 =	seq.s32 s10, $0x1;
	s10 =	sld [smem:$0x3FB2];
	_ =	sdelay $0x3  }
0x34: {  	[smem:$0x3FB2] =	sst s10  }
0x35: {  	s10 =	sld [smem:$0x3FB1];
	_ =	sdelay $0x3  }
0x36: {  	p1 =	seq.s32 s10, $0x1;
	s10 =	sld [smem:$0x3FB2];
	_ =	sdelay $0x3  }
0x37: {  	[smem:$0x3FB2] =	sst s10  }
0x38: {  	s10 =	sld [smem:$0x3FB3]  }
0x39: {  	_ = 	snop;
	(pc) =	sbr.ind lr, $3  }
0x3a: {  	_ = 	snop  }
0x3b: {  	_ = 	snop  }
0x3c: {  	p2 =	seq.s32 s10, $0x1;
	s10 =	sld [smem:$0x3FB2]  }
0x3d: {  	_ =	shalt  }
0x3e: {  	_ =	shalt  }
0x3f: {  	_ =	shalt  }
0x40: {  	_ =	shalt  }
0x41: {  	_ =	shalt  }
0x42: {  	_ =	shalt  }
0x43: {  	_ =	shalt  }
0x44: {  	_ =	shalt  }
0x45: {  	_ =	shalt  }
0x46: {  	_ =	shalt  }
0x47: {  	_ =	shalt  }
0x48: {  	_ =	shalt  }
0x49: {  	_ =	shalt  }
0x4a: {  	_ =	shalt  }
0x4b: {  	_ =	shalt  }
0x4c: {  	_ =	shalt  }
0x4d: {  	_ =	shalt  }
0x4e: {  	_ =	shalt  }
0x4f: {  	_ =	shalt  }
0x50: {  	_ =	shalt  }
0x51: {  	_ =	shalt  }
0x52: {  	_ =	shalt  }
0x53: {  	_ =	shalt  }
0x54: {  	_ =	shalt  }
0x55: {  	_ =	shalt  }
0x56: {  	_ =	shalt  }
0x57: {  	_ =	shalt  }
0x58: {  	_ =	shalt  }
0x59: {  	_ =	shalt  }
0x5a: {  	_ =	shalt  }
0x5b: {  	_ =	shalt  }
0x5c: {  	_ =	shalt  }
0x5d: {  	_ =	shalt  }
0x5e: {  	_ =	shalt  }
0x5f: {  	_ =	shalt  }
0x60: {  	_ =	shalt  }
0x61: {  	_ =	shalt  }
0x62: {  	_ =	shalt  }
0x63: {  	_ =	shalt  }
0x64: {  	_ =	shalt  }
0x65: {  	_ =	shalt  }
0x66: {  	_ =	shalt  }
0x67: {  	_ =	shalt  }
0x68: {  	_ =	shalt  }
0x69: {  	_ =	shalt  }
0x6a: {  	_ =	shalt  }
0x6b: {  	_ =	shalt  }
0x6c: {  	_ =	shalt  }
0x6d: {  	_ =	shalt  }
0x6e: {  	_ =	shalt  }
0x6f: {  	_ =	shalt  }
0x70: {  	_ =	shalt  }
0x71: {  	_ =	shalt  }
0x72: {  	_ =	shalt  }
0x73: {  	_ =	shalt  }
0x74: {  	_ =	shalt  }
0x75: {  	_ =	shalt  }
0x76: {  	_ =	shalt  }
0x77: {  	_ =	shalt  }
0x78: {  	_ =	shalt  }
0x79: {  	_ =	shalt  }
0x7a: {  	_ =	shalt  }
0x7b: {  	_ =	shalt  }
0x7c: {  	_ =	shalt  }
0x7d: {  	_ =	shalt  }
0x7e: {  	_ =	shalt  }
0x7f: {  	_ =	shalt  }
0x80: {  	_ =	shalt  }
0x81: {  	_ =	shalt  }
0x82: {  	_ =	shalt  }
0x83: {  	_ =	shalt  }
0x84: {  	_ =	shalt  }
0x85: {  	_ =	shalt  }
0x86: {  	_ =	shalt  }
0x87: {  	_ =	shalt  }
.Lfunc_end0:
.L_simem_size_0:
called_computation_lowered:
.L_overlay_start_0:
0x88: {  	s2 =	sld [smem:$0x3FD9]  }
0x89: {  	s3 =	sld [smem:$0x3FFE];
	_ =	sdelay $0x1  }
0x8a: {  	s1 =	srdreg.scid  }
0x8b: {  	s0 =	sand.u32 $0x1, s1  }
0x8c: {  	s17 =	sshll.u32 s0, $0xA;
	s2 =	sadd.s32 s3, s2  }
0x8d: {  	s2 =	sadd.s32 s2, s17  }
0x8e: {  	[smem:$0x3FBE] =	sst s2  }
0x8f: {  	_ = 	snop  }
0x90: {  	s2 =	sld [smem:$0x3FD0];
	(tm) =	ssettm $0x1  }
0x91: {  	s18 =	sld [smem:$0x3FFB];
	_ =	sdelay $0x3  }
0x92: {  	_ =	strace s18  }
0x93: {  	s3 =	sld [smem:$0x3FFC];
	_ =	sdelay $0x3  }
0x94: {  	_ =	strace s3  }
0x95: {  	s3 =	sld [smem:$0x3FFD];
	_ =	sdelay $0x3  }
0x96: {  	_ =	strace s3  }
0x97: {  	_ =	strace $0x8FFFFFFF  }
0x98: {  	s19 =	sld [smem:$0x3FDB];
	_ =	sdelay $0x1  }
0x99: {  	s4 =	simm.s32 $_scs_section_size  }
0x9a: {  	s5 =	simm.s32 $_size__tile_overlayer_lowered;
	s6 =	simm.s32 $_tile_overlayer_lowered  }
0x9b: {  	s22 =	simm.s32 $0x1BFF;
	s21 =	sshll.u32 s6, $0x1;
	s3 =	sadd.s32 s4, s19  }
0x9c: {  	s7 =	simm.s32 $0x0;
	s20 =	sshll.u32 s5, $0x1;
	s5 =	sadd.s32 s21, s3  }
0x9d: {  	[timem:s7], [sflag:s22] =	dma.local [hbm:s5], s20  }
0x9e: {  	_ =	swait.ge [sflag:s22], s20  }
0x9f: {  	s4 =	ssub.s32 $0x0, s20;
	[sflag:s22] =	ssyncset.done $0x0  }
0xa0: {  	[sflag:s22] =	ssyncadd.s32 s4;
	_ =	sdelay $0x1  }
0xa1: {  	s23 =	simm.s32 $0x1B8B  }
0xa2: {  	_ =	swait.ge [sflag:s23], $0x1  }
0xa3: {  	[sflag:s23] =	ssyncset.done $0x0  }
0xa4: {  	s25 =	simm.s32 $0x1B8E;
	s24 =	sld [smem:$0x3FFE];
	[sflag:s23] =	ssyncadd.s32 $0xFFFFFFFF  }
0xa5: {  	s26 =	simm.s32 $execute0_lowered;
	[smem:$0x3FD2] =	sst s25  }
0xa6: {  	s5 =	sshll.u32 s26, $0x1;
	_ =	strace $0x80000046;
	[dreg:$0x1] =	wrdreg $0xFFFFFFFF  }
0xa7: {  	s28 =	simm.s32 $_size_execute0_lowered;
	s3 =	sadd.s32 s3, s5;
	[dreg:$0x0] =	wrdreg $0x0  }
0xa8: {  	s5 =	sshll.u32 s28, $0x1;
	[dreg:$0x2] =	wrdreg s3  }
0xa9: {  	[dreg:$0x3] =	wrdreg s5  }
0xaa: {  	[dreg:$0x4] =	wrdreg $0xC0  }
0xab: {  	_ =	task [dreg:s7], $0x5FFFF  }
0xac: {  	[dreg:$0x1] =	wrdreg $0xFFFFFFFF  }
0xad: {  	[dreg:$0x0] =	wrdreg $0x60  }
0xae: {  	[dreg:$0x2] =	wrdreg s24  }
0xaf: {  	[dreg:$0x3] =	wrdreg s2  }
0xb0: {  	[dreg:$0x4] =	wrdreg $0x81000  }
0xb1: {  	[dreg:$0x5] =	wrdreg $0x9  }
0xb2: {  	_ =	task.clear_ibuf [dreg:s7], $0x6FFFF;
	_ =	strace $0x90000046  }
0xb3: {  	s29 =	simm.s32 $0x9;
	_ =	strace $0x80000048  }
0xb4: {  	_ =	swait.ge [sflag:s29], $0x1  }
0xb5: {  	[sflag:s29] =	ssyncadd.s32 $0xFFFFFFFF  }
0xb6: {  	_ =	strace $0x90000048  }
0xb7: {  	_ =	sfence  }
0xb8: {  	s30 =	sld [smem:$0x0];
	_ =	sdelay $0x2  }
0xb9: {  	s31 =	sshll.u32 s1, $0xD;
	s1 =	sshrl.u32 s1, $0x2  }
0xba: {  	s3 =	sand.u32 $0x4000, s31;
	s1 =	sadd.s32 s1, s30  }
0xbb: {  	s0 =	sor.u32 s3, s0;
	s1 =	sshll.u32 s1, $0x11  }
0xbc: {  	s0 =	sor.u32 s1, s0  }
0xbd: {  	s0 =	sadd.s32 $0x8F2B, s0  }
0xbe: {  	[sflag:s0] =	ssyncadd.remote.s32 $0x1  }
0xbf: {  	_ =	sfence.sel $0xFFFF  }
0xc0: {  	[dreg:$0x0] =	wrdreg $0xFFFFFFFF;
	(pc) =	sbr.abs _section_cstart, $3  }
0xc1: {  	[dreg:$0x1] =	wrdreg $0xFFFFFFFF  }
0xc2: {  	_ =	task.clear_ibuf [dreg:s7], $0x2FFFF;
	_ =	strace $0x9FFFFFFF  }
0xc3: {  	(tm) =	ssettm $0x7FFFFFFF  }
tec
execute0_lowered:
.L_overlay_start_1:
0x0: {  	(tag) =	ssettag $0x1  }
0x1: {  	s0 =	rddreg [dreg:$0x0]  }
0x2: {  	s1 =	rddreg [dreg:$0x1]  }
0x3: {  	s2 =	rddreg [dreg:$0x2];
	s3 =	simm.s32 $0x0  }
0x4: {  	s13 =	stileid.u32;
	s4 =	srdreg.scid;
	s28 =	simm.s32 $0x80  }
0x5: {  	s29 =	simm.s32 $0x100;
	s30 =	simm.s32 $0x1;
	s31 =	simm.s32 $0x0  }
0x6: {  	[smem:$0x7FF] =	sst s3;
	s5 =	smul.u32 $0x9E0, s13;
	s6 =	sand.u32 $0x1, s4  }
0x7: {  	s4 =	sadd.s32 $0xBE00, s0;
	s8 =	smul.u32 $0x14000, s13;
	s9 =	sadd.s32 $0x34E00, s0  }
0x8: {  	s12 =	sadd.s32 $0x84E00, s0;
	_ =	strace $0x80000047;
	s7 =	ssub.s32 $0x2, s6  }
0x9: {  	s11 =	smul.u32 $0x140000, s6;
	s10 =	sshrl.u32 s7, $0x1;
	s18 =	sadd.s32 $0x4000, s8  }
0xa: {  	s19 =	sadd.s32 $0x8000, s8;
	s20 =	sadd.s32 $0xC000, s8;
	s1 =	sadd.s32 s5, s1  }
0xb: {  	s7 =	ssub.s32 s7, s10;
	s10 =	smul.u32 $0x50000, s13;
	s22 =	sadd.s32 s8, s11  }
0xc: {  	s14 =	sadd.s32 s11, s18;
	s8 =	sadd.s32 $0x10000, s8;
	s24 =	sadd.s32 s11, s19  }
0xd: {  	s16 =	sadd.s32 s11, s20;
	s18 =	sadd.s32 s18, s2;
	s13 =	sshrl.u32 s22, $0x3  }
0xe: {  	s19 =	sadd.s32 s19, s2;
	s14 =	sshrl.u32 s14, $0x3;
	s15 =	sadd.s32 s12, s13  }
0xf: {  	s16 =	sshrl.u32 s16, $0x3;
	s23 =	sadd.s32 s12, s14;
	[dreg:$0x4] =	wrdreg s15  }
0x10: {  	s20 =	sadd.s32 s20, s2;
	s25 =	sadd.s32 s12, s16;
	[dreg:$0x5] =	wrdreg s23  }
0x11: {  	s11 =	sadd.s32 s11, s8;
	s13 =	sadd.s32 s9, s13;
	[dreg:$0x7] =	wrdreg s25  }
0x12: {  	s26 =	sshrl.u32 s11, $0x3;
	s14 =	sadd.s32 s9, s14;
	[dreg:$0x9] =	wrdreg s13  }
0x13: {  	s22 =	sadd.s32 s9, s16;
	s16 =	sadd.s32 $0x34600, s0;
	[dreg:$0xa] =	wrdreg s14  }
0x14: {  	s15 =	sshrl.u32 s24, $0x3;
	s11 =	sadd.s32 s12, s26;
	[dreg:$0xc] =	wrdreg s22  }
0x15: {  	s14 =	sadd.s32 s9, s26;
	s23 =	sadd.s32 s5, s0;
	s24 =	sshrl.u32 s10, $0x2  }
0x16: {  	s25 =	smul.u32 $0x4F0, s6;
	s17 =	sadd.s32 s12, s15;
	[dreg:$0x8] =	wrdreg s11  }
0x17: {  	s22 =	smax.u32 s7, $0x1;
	s21 =	sadd.s32 s9, s15;
	[dreg:$0x6] =	wrdreg s17  }
0x18: {  	s15 =	sadd.s32 $0x33E00, s0;
	[dreg:$0xb] =	wrdreg s21;
	s17 =	sadd.s32 s24, s2  }
0x19: {  	s21 =	sadd.s32 s8, s2;
	s26 =	sadd.s32 s25, s23;
	s24 =	sadd.s32 s25, s1  }
0x1a: {  	s25 =	simm.s32 $0x4100;
	s23 =	sadd.s32 $0x2000, s26;
	s26 =	simm.s32 $0x2  }
.LBB2_1:
0x1b: {  	[tilespmem:s25], [sflag:$0x2] =	stream.linear.gather [hbm4b:s16+s3], $0x4000, $0x38;
	[tilespmem:$0x1C100] =	vst v63  }
0x1c: {  	s0 =	stileid.u32;
	_ =	swait.ge [sflag:s26], $0x4000  }
0x1d: {  	s0 =	sshll.u32 s0, $0x6;
	[sflag:s26] =	ssyncset.done $0x0  }
0x1e: {  	s1 =	sshrl.u32 s17, $0x3;
	s0 =	sor.u32 $0x1C02, s0;
	[sflag:s26] =	ssyncadd.s32 $0xFFFFC000  }
0x1f: {  	[spmem:s1], [sflag:s0] =	dma.local [hbm:s15], $0x800  }
0x20: {  	_ =	swait.ge [sflag:s26], $0x800  }
0x21: {  	[sflag:s26] =	ssyncset.done $0x0  }
0x22: {  	s5 =	sshrl.u32 s18, $0x3;
	[sflag:s26] =	ssyncadd.s32 $0xFFFFF800  }
0x23: {  	[spmem:s5], [sflag:s0] =	dma.local [hbm:s15], $0x800  }
0x24: {  	_ =	swait.ge [sflag:s26], $0x800  }
0x25: {  	[sflag:s26] =	ssyncset.done $0x0  }
0x26: {  	s6 =	sshrl.u32 s19, $0x3;
	[sflag:s26] =	ssyncadd.s32 $0xFFFFF800  }
0x27: {  	[spmem:s6], [sflag:s0] =	dma.local [hbm:s15], $0x800  }
0x28: {  	_ =	swait.ge [sflag:s26], $0x800  }
0x29: {  	[sflag:s26] =	ssyncset.done $0x0  }
0x2a: {  	s7 =	sshrl.u32 s20, $0x3;
	[sflag:s26] =	ssyncadd.s32 $0xFFFFF800  }
0x2b: {  	[spmem:s7], [sflag:s0] =	dma.local [hbm:s15], $0x800  }
0x2c: {  	_ =	swait.ge [sflag:s26], $0x800  }
0x2d: {  	[sflag:s26] =	ssyncset.done $0x0  }
0x2e: {  	s8 =	sshrl.u32 s21, $0x3;
	[sflag:s26] =	ssyncadd.s32 $0xFFFFF800  }
0x2f: {  	[spmem:s8], [sflag:s0] =	dma.local [hbm:s15], $0x800  }
0x30: {  	_ =	swait.ge [sflag:s26], $0x800  }
0x31: {  	[sflag:s26] =	ssyncset.done $0x0  }
0x32: {  	[sflag:s26] =	ssyncadd.s32 $0xFFFFF800  }
0x33: {  	s9 =	sadd.s32 $0x0, s23;
	[bflag:$0x0] =	sbarrier.arrive $0xFFFF  }
0x34: {  	[tilespmem:s28], [sflag:$0x2] =	stream.linear.gather [hbm4b:s9+s3], $0x80, $0x38;
	[tilespmem:$0x1C100] =	vst v63  }
0x35: {  	_ =	swait.ge [sflag:s26], $0x80  }
0x36: {  	[sflag:s26] =	ssyncset.done $0x0  }
0x37: {  	[sflag:s26] =	ssyncadd.s32 $0xFFFFFF80  }
0x38: {  	[spmem:s2] =	stream.indirect.scatter.add.f32 [tilespmem:s25], [sflag:$0x2], $0x80, s28, s28, $0xb8;
	[tilespmem:$0x1C100] =	vst v63  }
0x39: {  	_ =	swait.ge [sflag:s26], $0x4000  }
0x3a: {  	s10 =	simm.s32 $0x20;
	s9 =	simm.s32 $0x10;
	[sflag:s26] =	ssyncset.done $0x0  }
.LBB2_2:
0x3b: {  	s11 =	sadd.s32 s9, s23  }
0x3c: {  	[sflag:s26] =	ssyncadd.s32 $0xFFFFC000;
	s9 =	smov.u32 s10;
	s12 =	sadd.s32 $0x10, s10  }
0x3d: {  	[tilespmem:s28], [sflag:$0x2] =	stream.linear.gather [hbm4b:s11+s3], $0x80, $0x38;
	[tilespmem:$0x1C100] =	vst v63  }
0x3e: {  	p0 =	sne.s32 s10, $0x4E0;
	_ =	swait.ge [sflag:s26], $0x80  }
.Ltmp0:
0x3f: {  	[sflag:s26] =	ssyncset.done $0x0;
	(pc) =	sbr.rel @p0 .LBB2_2-.Ltmp0, $4  }
0x40: {  	[sflag:s26] =	ssyncadd.s32 $0xFFFFFF80  }
0x41: {  	[spmem:s2] =	stream.indirect.scatter.add.f32 [tilespmem:s25], [sflag:$0x2], $0x80, s28, s28, $0xb8;
	[tilespmem:$0x1C100] =	vst v63  }
0x42: {  	_ =	swait.ge [sflag:s26], $0x4000  }
0x43: {  	s10 =	smov.u32 s12;
	[sflag:s26] =	ssyncset.done $0x0  }
0x44: {  	s9 =	sadd.s32 s9, s23;
	[sflag:s26] =	ssyncadd.s32 $0xFFFFC000  }
0x45: {  	[tilespmem:s28], [sflag:$0x2] =	stream.linear.gather [hbm4b:s9+s3], $0x80, $0x38;
	[tilespmem:$0x1C100] =	vst v63  }
0x46: {  	_ =	swait.ge [sflag:s26], $0x80  }
0x47: {  	[sflag:s26] =	ssyncset.done $0x0  }
0x48: {  	[sflag:s26] =	ssyncadd.s32 $0xFFFFFF80  }
0x49: {  	[spmem:s2] =	stream.indirect.scatter.add.f32 [tilespmem:s25], [sflag:$0x2], $0x80, s28, s28, $0xb8;
	[tilespmem:$0x1C100] =	vst v63  }
0x4a: {  	_ =	swait.ge [sflag:s26], $0x4000  }
0x4b: {  	[sflag:s26] =	ssyncset.done $0x0  }
0x4c: {  	[sflag:s26] =	ssyncadd.s32 $0xFFFFC000  }
0x4d: {  	[bflag:$0x0] =	sbarrier.arrive $0xFFFF  }
0x4e: {  	s11 =	rddreg [dreg:$0x4]  }
0x4f: {  	[hbm:s11], [sflag:s0] =	dma.local [spmem:s1], $0x800  }
0x50: {  	_ =	swait.ge [sflag:s26], $0x800  }
0x51: {  	[sflag:s26] =	ssyncset.done $0x0  }
0x52: {  	s12 =	rddreg [dreg:$0x5];
	[sflag:s26] =	ssyncadd.s32 $0xFFFFF800  }
0x53: {  	[hbm:s12], [sflag:s0] =	dma.local [spmem:s5], $0x800  }
0x54: {  	_ =	swait.ge [sflag:s26], $0x800  }
0x55: {  	[sflag:s26] =	ssyncset.done $0x0  }
0x56: {  	s13 =	rddreg [dreg:$0x6];
	[sflag:s26] =	ssyncadd.s32 $0xFFFFF800  }
0x57: {  	[hbm:s13], [sflag:s0] =	dma.local [spmem:s6], $0x800  }
0x58: {  	_ =	swait.ge [sflag:s26], $0x800  }
0x59: {  	[sflag:s26] =	ssyncset.done $0x0  }
0x5a: {  	s10 =	rddreg [dreg:$0x7];
	[sflag:s26] =	ssyncadd.s32 $0xFFFFF800  }
0x5b: {  	[hbm:s10], [sflag:s0] =	dma.local [spmem:s7], $0x800  }
0x5c: {  	_ =	swait.ge [sflag:s26], $0x800  }
0x5d: {  	[sflag:s26] =	ssyncset.done $0x0  }
0x5e: {  	s11 =	rddreg [dreg:$0x8];
	[sflag:s26] =	ssyncadd.s32 $0xFFFFF800  }
0x5f: {  	[hbm:s11], [sflag:s0] =	dma.local [spmem:s8], $0x800  }
0x60: {  	_ =	swait.ge [sflag:s26], $0x800  }
0x61: {  	[sflag:s26] =	ssyncset.done $0x0  }
0x62: {  	[sflag:s26] =	ssyncadd.s32 $0xFFFFF800  }
0x63: {  	[bflag:$0x0] =	sbarrier.arrive $0xFFFF  }
0x64: {  	[spmem:s1], [sflag:s0] =	dma.local [hbm:s15], $0x800  }
0x65: {  	_ =	swait.ge [sflag:s26], $0x800  }
0x66: {  	[sflag:s26] =	ssyncset.done $0x0  }
0x67: {  	[sflag:s26] =	ssyncadd.s32 $0xFFFFF800  }
0x68: {  	[spmem:s5], [sflag:s0] =	dma.local [hbm:s15], $0x800  }
0x69: {  	_ =	swait.ge [sflag:s26], $0x800  }
0x6a: {  	[sflag:s26] =	ssyncset.done $0x0  }
0x6b: {  	[sflag:s26] =	ssyncadd.s32 $0xFFFFF800  }
0x6c: {  	[spmem:s6], [sflag:s0] =	dma.local [hbm:s15], $0x800  }
0x6d: {  	_ =	swait.ge [sflag:s26], $0x800  }
0x6e: {  	[sflag:s26] =	ssyncset.done $0x0  }
0x6f: {  	[sflag:s26] =	ssyncadd.s32 $0xFFFFF800  }
0x70: {  	[spmem:s7], [sflag:s0] =	dma.local [hbm:s15], $0x800  }
0x71: {  	_ =	swait.ge [sflag:s26], $0x800  }
0x72: {  	[sflag:s26] =	ssyncset.done $0x0  }
0x73: {  	[sflag:s26] =	ssyncadd.s32 $0xFFFFF800  }
0x74: {  	[spmem:s8], [sflag:s0] =	dma.local [hbm:s15], $0x800  }
0x75: {  	_ =	swait.ge [sflag:s26], $0x800  }
0x76: {  	[sflag:s26] =	ssyncset.done $0x0  }
0x77: {  	[sflag:s26] =	ssyncadd.s32 $0xFFFFF800  }
0x78: {  	s12 =	sadd.s32 $0x0, s24;
	[bflag:$0x0] =	sbarrier.arrive $0xFFFF  }
0x79: {  	[tilespmem:s3], [sflag:$0x2] =	stream.linear.gather [hbm4b:s12+s3], $0x80, $0x38;
	[tilespmem:$0x1C100] =	vst v63  }
0x7a: {  	_ =	swait.ge [sflag:s26], $0x80  }
0x7b: {  	[sflag:s26] =	ssyncset.done $0x0  }
0x7c: {  	s13 =	sadd.s32 $0x0, s23;
	[sflag:s26] =	ssyncadd.s32 $0xFFFFFF80  }
0x7d: {  	[tilespmem:s28], [sflag:$0x2] =	stream.linear.gather [hbm4b:s13+s3], $0x80, $0x38;
	[tilespmem:$0x1C100] =	vst v63  }
0x7e: {  	_ =	swait.ge [sflag:s26], $0x80  }
0x7f: {  	[sflag:s26] =	ssyncset.done $0x0  }
0x80: {  	[sflag:s26] =	ssyncadd.s32 $0xFFFFFF80  }
0x81: {  	[tilespmem:s29], [sflag:$0x1] =	stream.indirect.gather [hbm4b:s4+s28], $0x80, s3, s28, $0xb8;
	[tilespmem:$0x1C100] =	vst v63  }
0x82: {  	_ =	swait.ge [sflag:s30], $0x4000  }
0x83: {  	[sflag:s30] =	ssyncset.done $0x0  }
0x84: {  	[sflag:s30] =	ssyncadd.s32 $0xFFFFC000  }
0x85: {  	[spmem:s2] =	stream.indirect.scatter.add.f32 [tilespmem:s29], [sflag:$0x2], $0x80, s28, s28, $0xb8;
	[tilespmem:$0x1C100] =	vst v63  }
0x86: {  	_ =	swait.ge [sflag:s26], $0x4000  }
0x87: {  	s9 =	simm.s32 $0x10;
	s10 =	simm.s32 $0x20;
	[sflag:s26] =	ssyncset.done $0x0  }
.LBB2_4:
0x88: {  	s11 =	sadd.s32 s9, s24  }
0x89: {  	[sflag:s26] =	ssyncadd.s32 $0xFFFFC000;
	s12 =	smov.u32 s10;
	s13 =	sadd.s32 $0x10, s10  }
0x8a: {  	[tilespmem:s3], [sflag:$0x2] =	stream.linear.gather [hbm4b:s11+s3], $0x80, $0x38;
	[tilespmem:$0x1C100] =	vst v63  }
0x8b: {  	p0 =	sne.s32 s10, $0x4E0;
	_ =	swait.ge [sflag:s26], $0x80  }
0x8c: {  	[sflag:s26] =	ssyncset.done $0x0  }
0x8d: {  	s10 =	sadd.s32 s9, s23;
	s9 =	smov.u32 s12;
	[sflag:s26] =	ssyncadd.s32 $0xFFFFFF80  }
0x8e: {  	[tilespmem:s28], [sflag:$0x2] =	stream.linear.gather [hbm4b:s10+s3], $0x80, $0x38;
	[tilespmem:$0x1C100] =	vst v63  }
0x8f: {  	_ =	swait.ge [sflag:s26], $0x80  }
0x90: {  	[sflag:s26] =	ssyncset.done $0x0  }
0x91: {  	[sflag:s26] =	ssyncadd.s32 $0xFFFFFF80  }
0x92: {  	[tilespmem:s29], [sflag:$0x1] =	stream.indirect.gather [hbm4b:s4+s28], $0x80, s3, s28, $0xb8;
	[tilespmem:$0x1C100] =	vst v63  }
0x93: {  	_ =	swait.ge [sflag:s30], $0x4000  }
.Ltmp1:
0x94: {  	[sflag:s30] =	ssyncset.done $0x0;
	(pc) =	sbr.rel @p0 .LBB2_4-.Ltmp1, $4  }
0x95: {  	[sflag:s30] =	ssyncadd.s32 $0xFFFFC000  }
0x96: {  	[spmem:s2] =	stream.indirect.scatter.add.f32 [tilespmem:s29], [sflag:$0x2], $0x80, s28, s28, $0xb8;
	[tilespmem:$0x1C100] =	vst v63  }
0x97: {  	_ =	swait.ge [sflag:s26], $0x4000  }
0x98: {  	s10 =	smov.u32 s13;
	[sflag:s26] =	ssyncset.done $0x0  }
0x99: {  	s10 =	sadd.s32 s9, s24;
	[sflag:s26] =	ssyncadd.s32 $0xFFFFC000  }
0x9a: {  	[tilespmem:s3], [sflag:$0x2] =	stream.linear.gather [hbm4b:s10+s3], $0x80, $0x38;
	[tilespmem:$0x1C100] =	vst v63  }
0x9b: {  	_ =	swait.ge [sflag:s26], $0x80  }
0x9c: {  	[sflag:s26] =	ssyncset.done $0x0  }
0x9d: {  	s13 =	sadd.s32 s9, s23;
	[sflag:s26] =	ssyncadd.s32 $0xFFFFFF80  }
0x9e: {  	[tilespmem:s28], [sflag:$0x2] =	stream.linear.gather [hbm4b:s13+s3], $0x80, $0x38;
	[tilespmem:$0x1C100] =	vst v63  }
0x9f: {  	_ =	swait.ge [sflag:s26], $0x80  }
0xa0: {  	[sflag:s26] =	ssyncset.done $0x0  }
0xa1: {  	[sflag:s26] =	ssyncadd.s32 $0xFFFFFF80  }
0xa2: {  	[tilespmem:s29], [sflag:$0x1] =	stream.indirect.gather [hbm4b:s4+s28], $0x80, s3, s28, $0xb8;
	[tilespmem:$0x1C100] =	vst v63  }
0xa3: {  	_ =	swait.ge [sflag:s30], $0x4000  }
0xa4: {  	[sflag:s30] =	ssyncset.done $0x0  }
0xa5: {  	[sflag:s30] =	ssyncadd.s32 $0xFFFFC000  }
0xa6: {  	[spmem:s2] =	stream.indirect.scatter.add.f32 [tilespmem:s29], [sflag:$0x2], $0x80, s28, s28, $0xb8;
	[tilespmem:$0x1C100] =	vst v63  }
0xa7: {  	_ =	swait.ge [sflag:s26], $0x4000  }
0xa8: {  	[sflag:s26] =	ssyncset.done $0x0  }
0xa9: {  	[sflag:s26] =	ssyncadd.s32 $0xFFFFC000  }
0xaa: {  	[bflag:$0x0] =	sbarrier.arrive $0xFFFF  }
0xab: {  	s10 =	rddreg [dreg:$0x9]  }
0xac: {  	[hbm:s10], [sflag:s0] =	dma.local [spmem:s1], $0x800  }
0xad: {  	_ =	swait.ge [sflag:s26], $0x800  }
0xae: {  	[sflag:s26] =	ssyncset.done $0x0  }
0xaf: {  	s11 =	rddreg [dreg:$0xa];
	[sflag:s26] =	ssyncadd.s32 $0xFFFFF800  }
0xb0: {  	[hbm:s11], [sflag:s0] =	dma.local [spmem:s5], $0x800  }
0xb1: {  	_ =	swait.ge [sflag:s26], $0x800  }
0xb2: {  	[sflag:s26] =	ssyncset.done $0x0  }
0xb3: {  	s12 =	rddreg [dreg:$0xb];
	[sflag:s26] =	ssyncadd.s32 $0xFFFFF800  }
0xb4: {  	[hbm:s12], [sflag:s0] =	dma.local [spmem:s6], $0x800  }
0xb5: {  	_ =	swait.ge [sflag:s26], $0x800  }
0xb6: {  	[sflag:s26] =	ssyncset.done $0x0  }
0xb7: {  	s13 =	rddreg [dreg:$0xc];
	[sflag:s26] =	ssyncadd.s32 $0xFFFFF800  }
0xb8: {  	[hbm:s13], [sflag:s0] =	dma.local [spmem:s7], $0x800  }
0xb9: {  	s31 =	sadd.s32 $0x1, s31;
	_ =	swait.ge [sflag:s26], $0x800  }
0xba: {  	p0 =	sne.s32 s31, s22;
	[sflag:s26] =	ssyncset.done $0x0  }
.Ltmp2:
0xbb: {  	[sflag:s26] =	ssyncadd.s32 $0xFFFFF800;
	(pc) =	sbr.rel @p0 .LBB2_1-.Ltmp2, $4  }
0xbc: {  	[hbm:s14], [sflag:s0] =	dma.local [spmem:s8], $0x800  }
0xbd: {  	_ =	swait.ge [sflag:s26], $0x800  }
0xbe: {  	[sflag:s26] =	ssyncset.done $0x0  }
0xbf: {  	[sflag:s26] =	ssyncadd.s32 $0xFFFFF800  }
0xc0: {  	_ =	sfence.sel $0x180000  }
0xc1: {  	[bflag:$0x0] =	sbarrier.arrive $0xFFFF  }
0xc2: {  	_ =	strace $0x90000047  }
0xc3: {  	s0 =	stileid.u32;
	[bflag:$0x2] =	sbarrier.arrive $0xFFFF  }
0xc4: {  	p0 =	sne.s32 s0, $0x0;
	s0 =	rddreg [dreg:$0x3]  }
0xc5: {  	s0 =	sadd.s32 @!p0 $0x100000, s0  }
0xc6: {  	[sflag:s0] =	ssyncadd.tile.s32 @!p0 $0x1;
	_ =	shalt  }
.Lfunc_end2:
_tile_overlayer_lowered:
.L_overlay_start_2:
0xc7: {  	(tag) =	ssettag $0x2  }
0xc8: {  	s0 =	rddreg [dreg:$0x0];
	s2 =	stileid.u32  }
0xc9: {  	s1 =	rddreg [dreg:$0x1];
	p0 =	sne.s32 s2, $0x0  }
0xca: {  	s3 =	rddreg [dreg:$0x2];
	[bflag:$0x3] =	sbarrier.arrive $0xFFFF;
	s2 =	simm.s32 @!p0 $0x1C02  }
0xcb: {  	[timem:s3], [sflag:s2] =	dma.local @!p0 [hbm:s0], s1  }
0xcc: {  	s0 =	simm.s32 @!p0 $0x2  }
0xcd: {  	_ =	swait.ge @!p0 [sflag:s0], s1  }
0xce: {  	s1 =	ssub.s32 @!p0 $0x0, s1;
	[sflag:s0] =	ssyncset.done @!p0 $0x0  }
0xcf: {  	[sflag:s0] =	ssyncadd.s32 @!p0 s1  }
0xd0: {  	[bflag:$0x3] =	sbarrier.arrive $0xFFFF  }
0xd1: {  	_ =	shalt  }

</sc_bundles>
